<compile_context>
chip_gen: v7x
topology: tpu7x:2x2x1
jax: 0.10.2.dev20260603
libtpu: 0.0.44.dev20260713+nightly
codegen_flags: <defaults>
</compile_context>

<pallas_src>
import functools

import jax
import jax.numpy as jnp
from jax import lax
from jax.experimental import pallas as pl
from jax.experimental.pallas import tpu as pltpu
from jax.experimental.pallas import tpu_sc as plsc

D_MODEL = 768
BATCH = 4
SEQ = 2048
NW = 32
S_PER_W = SEQ // NW
K = 16
N_CHUNKS = BATCH * S_PER_W // K
CPB = N_CHUNKS // BATCH
NBUF = 4
LANES = 16
JCOLS = D_MODEL // LANES


def _make_embed():
    mesh = plsc.VectorSubcoreMesh(core_axis_name="c", subcore_axis_name="s")

    @functools.partial(
        pl.kernel,
        mesh=mesh,
        out_type=jax.ShapeDtypeStruct((BATCH, SEQ, D_MODEL), jnp.float32),
        scratch_types=[
            pltpu.VMEM((BATCH * S_PER_W,), jnp.int32),
            pltpu.VMEM((S_PER_W, D_MODEL), jnp.float32),
            pltpu.VMEM((NBUF, K, D_MODEL), jnp.float32),
            pltpu.SemaphoreType.DMA,
            pltpu.SemaphoreType.DMA,
            pltpu.SemaphoreType.DMA,
            pltpu.SemaphoreType.DMA,
        ],
    )
    def embed(x_hbm, table_hbm, pos_hbm, out_hbm,
              idx_v, pos_v, rows_v, isem, psem, gsem, ssem):
        wid = lax.axis_index("s") * 2 + lax.axis_index("c")
        s_base = pl.multiple_of(wid * S_PER_W, S_PER_W)

        idx_copies = [
            pltpu.async_copy(
                x_hbm.at[b, pl.ds(s_base, S_PER_W)],
                idx_v.at[pl.ds(b * S_PER_W, S_PER_W)], isem)
            for b in range(BATCH)
        ]
        pos_copy = pltpu.async_copy(
            pos_hbm.at[0, pl.ds(s_base, S_PER_W)], pos_v, psem)
        for cp in idx_copies:
            cp.wait()

        def gather_desc(c):
            p = lax.bitwise_and(c, NBUF - 1)
            off = pl.multiple_of(lax.mul(c, K), 8)
            return pltpu.make_async_copy(
                table_hbm.at[idx_v.at[pl.ds(off, K)]], rows_v.at[p], gsem)

        def store_desc(c):
            p = lax.bitwise_and(c, NBUF - 1)
            b = lax.shift_right_logical(c, 2)
            h = lax.bitwise_and(c, CPB - 1)
            out_row = pl.multiple_of(s_base + h * K, 8)
            return pltpu.make_async_copy(
                rows_v.at[p], out_hbm.at[b, pl.ds(out_row, K)], ssem)

        gather_desc(0).start()
        gather_desc(1).start()
        pos_copy.wait()

        def chunk(c, carry):
            @pl.when(c + 2 < N_CHUNKS)
            def _():
                @pl.when(c >= 2)
                def _():
                    store_desc(c - 2).wait()
                gather_desc(c + 2).start()

            gather_desc(c).wait()
            p = lax.bitwise_and(c, NBUF - 1)
            h = lax.bitwise_and(c, CPB - 1)

            @plsc.parallel_loop(0, K, 1, unroll=2)
            def row(r):
                for j in range(JCOLS):
                    sl = pl.ds(j * LANES, LANES)
                    plsc.addupdate(rows_v.at[p, r, sl], pos_v[h * K + r, sl])

            store_desc(c).start()
            return carry

        lax.fori_loop(0, N_CHUNKS, chunk, 0)
        for c in range(N_CHUNKS - NBUF, N_CHUNKS):
            store_desc(c).wait()

    return embed


_embed = _make_embed()


def kernel(x, token_table, pos_emb):
    return _embed(x, token_table, pos_emb)

# --- scband reference (transcript-rebuilt; emitter-appended) ---
"""Pipeline reference for scband-token-and-positional-embedding-69664369541655 (READ-ONLY COPY).

The authoritative reference and input builder live on the scoring server;
editing this copy changes nothing except your own understanding.
"""

import jax, jax.numpy as jnp
import numpy as np

VOCAB = 100000
D_MODEL = 768
MAX_LEN = 8192
BATCH = 4
SEQ = 2048


def setup_inputs(seed: int = 0) -> dict:
    key = jax.random.key(seed)
    k1, k2, k3 = jax.random.split(key, 3)
    x = jax.random.randint(k1, (BATCH, SEQ), 0, VOCAB, dtype=jnp.int32)
    token_table = jax.random.normal(k2, (VOCAB, D_MODEL), dtype=jnp.float32)
    pos_emb = jax.random.normal(k3, (1, MAX_LEN, D_MODEL), dtype=jnp.float32)
    return {"x": x, "token_table": token_table, "pos_emb": pos_emb}


def reference(x, token_table, pos_emb):
    # token embedding lookup (gather) + positional embedding slice, broadcast-add
    seq_len = x.shape[1]
    tok = jnp.take(token_table, x, axis=0)  # [B, S, D]
    return tok + pos_emb[:, :seq_len, :]

if __name__ == "__main__":
    import jax
    _d = setup_inputs()
    print(jax.jit(kernel)(*tuple(_d.values())))

</pallas_src>

<mosaic_0001>
#map = affine_map<(d0, d1) -> (0, 0)>
#map1 = affine_map<(d0, d1) -> (0, 0, 0)>
module attributes {stable_mosaic.version = 14 : i64} {
  func.func @embed(%arg0: i32, %arg1: i32, %arg2: memref<4x2048xi32, #tpu.memory_space<hbm>>, %arg3: memref<100000x768xf32, #tpu.memory_space<hbm>>, %arg4: memref<1x8192x768xf32, #tpu.memory_space<hbm>>, %arg5: memref<4x2048x768xf32, #tpu.memory_space<hbm>>, %arg6: memref<256xi32, #tpu.memory_space<vmem>>, %arg7: memref<64x768xf32, #tpu.memory_space<vmem>>, %arg8: memref<4x16x768xf32, #tpu.memory_space<vmem>>, %arg9: memref<!tpu.dma_semaphore, #tpu.memory_space<semaphore_mem>>, %arg10: memref<!tpu.dma_semaphore, #tpu.memory_space<semaphore_mem>>, %arg11: memref<!tpu.dma_semaphore, #tpu.memory_space<semaphore_mem>>, %arg12: memref<!tpu.dma_semaphore, #tpu.memory_space<semaphore_mem>>) attributes {dimension_semantics = [#tpu.dimension_semantics<core_parallel>, #tpu.dimension_semantics<subcore_parallel>], iteration_bounds = array<i64: 2, 16>, scalar_prefetch = 0 : i64, scratch_operands = 7 : i64, tpu.core_type = #tpu.core_type<sc_vector_subcore>, window_params = [{transform_indices = #map}, {transform_indices = #map}, {transform_indices = #map1}, {transform_indices = #map1}]} {
    %mul3A = arith.constant 2 : i32
    %mul3A_0 = arith.muli %arg1, %mul3A : i32
    %add3A = arith.addi %mul3A_0, %arg0 : i32
    %mul3A_1 = arith.constant 64 : i32
    %mul3A_2 = arith.muli %add3A, %mul3A_1 : i32
    %multiple_of3A = tpu.assume_multiple %mul3A_2, 64 : i32
    %dma_start3A = arith.constant 0 : i32
    %dma_start3A_3 = arith.constant 0 : i32
    %dma_start3A_4 = tpu.memref_slice %arg6[%dma_start3A_3] : memref<256xi32, #tpu.memory_space<vmem>> -> memref<64xi32, #tpu.memory_space<vmem>>
    %dma_start3A_5 = tpu.memref_slice %arg2[%dma_start3A, %multiple_of3A] : memref<4x2048xi32, #tpu.memory_space<hbm>> -> memref<1x64xi32, #tpu.memory_space<hbm>>
    %dma_start3A_6 = tpu.memref_squeeze %dma_start3A_5 : memref<1x64xi32, #tpu.memory_space<hbm>> -> memref<64xi32, #tpu.memory_space<hbm>>
    %dma_start3A_7 = arith.constant 0 : i32
    %dma_start3A_8 = tpu.memref_slice %arg6[%dma_start3A_7] : memref<256xi32, #tpu.memory_space<vmem>> -> memref<64xi32, #tpu.memory_space<vmem>>
    %dma_start3A_9 = tpu.memref_slice %arg2[%dma_start3A, %multiple_of3A] : memref<4x2048xi32, #tpu.memory_space<hbm>> -> memref<1x64xi32, #tpu.memory_space<hbm>>
    %dma_start3A_10 = tpu.memref_squeeze %dma_start3A_9 : memref<1x64xi32, #tpu.memory_space<hbm>> -> memref<64xi32, #tpu.memory_space<hbm>>
    tpu.enqueue_dma source(%dma_start3A_10 : memref<64xi32, #tpu.memory_space<hbm>>) target(%dma_start3A_8 : memref<64xi32, #tpu.memory_space<vmem>>) target_semaphore(%arg9 : memref<!tpu.dma_semaphore, #tpu.memory_space<semaphore_mem>>)
    %dma_start3A_11 = arith.constant 1 : i32
    %dma_start3A_12 = arith.constant 64 : i32
    %dma_start3A_13 = tpu.memref_slice %arg6[%dma_start3A_12] : memref<256xi32, #tpu.memory_space<vmem>> -> memref<64xi32, #tpu.memory_space<vmem>>
    %dma_start3A_14 = tpu.memref_slice %arg2[%dma_start3A_11, %multiple_of3A] : memref<4x2048xi32, #tpu.memory_space<hbm>> -> memref<1x64xi32, #tpu.memory_space<hbm>>
    %dma_start3A_15 = tpu.memref_squeeze %dma_start3A_14 : memref<1x64xi32, #tpu.memory_space<hbm>> -> memref<64xi32, #tpu.memory_space<hbm>>
    %dma_start3A_16 = arith.constant 64 : i32
    %dma_start3A_17 = tpu.memref_slice %arg6[%dma_start3A_16] : memref<256xi32, #tpu.memory_space<vmem>> -> memref<64xi32, #tpu.memory_space<vmem>>
    %dma_start3A_18 = tpu.memref_slice %arg2[%dma_start3A_11, %multiple_of3A] : memref<4x2048xi32, #tpu.memory_space<hbm>> -> memref<1x64xi32, #tpu.memory_space<hbm>>
    %dma_start3A_19 = tpu.memref_squeeze %dma_start3A_18 : memref<1x64xi32, #tpu.memory_space<hbm>> -> memref<64xi32, #tpu.memory_space<hbm>>
    tpu.enqueue_dma source(%dma_start3A_19 : memref<64xi32, #tpu.memory_space<hbm>>) target(%dma_start3A_17 : memref<64xi32, #tpu.memory_space<vmem>>) target_semaphore(%arg9 : memref<!tpu.dma_semaphore, #tpu.memory_space<semaphore_mem>>)
    %dma_start3A_20 = arith.constant 2 : i32
    %dma_start3A_21 = arith.constant 128 : i32
    %dma_start3A_22 = tpu.memref_slice %arg6[%dma_start3A_21] : memref<256xi32, #tpu.memory_space<vmem>> -> memref<64xi32, #tpu.memory_space<vmem>>
    %dma_start3A_23 = tpu.memref_slice %arg2[%dma_start3A_20, %multiple_of3A] : memref<4x2048xi32, #tpu.memory_space<hbm>> -> memref<1x64xi32, #tpu.memory_space<hbm>>
    %dma_start3A_24 = tpu.memref_squeeze %dma_start3A_23 : memref<1x64xi32, #tpu.memory_space<hbm>> -> memref<64xi32, #tpu.memory_space<hbm>>
    %dma_start3A_25 = arith.constant 128 : i32
    %dma_start3A_26 = tpu.memref_slice %arg6[%dma_start3A_25] : memref<256xi32, #tpu.memory_space<vmem>> -> memref<64xi32, #tpu.memory_space<vmem>>
    %dma_start3A_27 = tpu.memref_slice %arg2[%dma_start3A_20, %multiple_of3A] : memref<4x2048xi32, #tpu.memory_space<hbm>> -> memref<1x64xi32, #tpu.memory_space<hbm>>
    %dma_start3A_28 = tpu.memref_squeeze %dma_start3A_27 : memref<1x64xi32, #tpu.memory_space<hbm>> -> memref<64xi32, #tpu.memory_space<hbm>>
    tpu.enqueue_dma source(%dma_start3A_28 : memref<64xi32, #tpu.memory_space<hbm>>) target(%dma_start3A_26 : memref<64xi32, #tpu.memory_space<vmem>>) target_semaphore(%arg9 : memref<!tpu.dma_semaphore, #tpu.memory_space<semaphore_mem>>)
    %dma_start3A_29 = arith.constant 3 : i32
    %dma_start3A_30 = arith.constant 192 : i32
    %dma_start3A_31 = tpu.memref_slice %arg6[%dma_start3A_30] : memref<256xi32, #tpu.memory_space<vmem>> -> memref<64xi32, #tpu.memory_space<vmem>>
    %dma_start3A_32 = tpu.memref_slice %arg2[%dma_start3A_29, %multiple_of3A] : memref<4x2048xi32, #tpu.memory_space<hbm>> -> memref<1x64xi32, #tpu.memory_space<hbm>>
    %dma_start3A_33 = tpu.memref_squeeze %dma_start3A_32 : memref<1x64xi32, #tpu.memory_space<hbm>> -> memref<64xi32, #tpu.memory_space<hbm>>
    %dma_start3A_34 = arith.constant 192 : i32
    %dma_start3A_35 = tpu.memref_slice %arg6[%dma_start3A_34] : memref<256xi32, #tpu.memory_space<vmem>> -> memref<64xi32, #tpu.memory_space<vmem>>
    %dma_start3A_36 = tpu.memref_slice %arg2[%dma_start3A_29, %multiple_of3A] : memref<4x2048xi32, #tpu.memory_space<hbm>> -> memref<1x64xi32, #tpu.memory_space<hbm>>
    %dma_start3A_37 = tpu.memref_squeeze %dma_start3A_36 : memref<1x64xi32, #tpu.memory_space<hbm>> -> memref<64xi32, #tpu.memory_space<hbm>>
    tpu.enqueue_dma source(%dma_start3A_37 : memref<64xi32, #tpu.memory_space<hbm>>) target(%dma_start3A_35 : memref<64xi32, #tpu.memory_space<vmem>>) target_semaphore(%arg9 : memref<!tpu.dma_semaphore, #tpu.memory_space<semaphore_mem>>)
    %dma_start3A_38 = arith.constant 0 : i32
    %dma_start3A_39 = arith.constant 0 : i32
    %dma_start3A_40 = tpu.memref_slice %arg4[%dma_start3A_38, %multiple_of3A, %dma_start3A_39] : memref<1x8192x768xf32, #tpu.memory_space<hbm>> -> memref<1x64x768xf32, #tpu.memory_space<hbm>>
    %dma_start3A_41 = tpu.memref_squeeze %dma_start3A_40 : memref<1x64x768xf32, #tpu.memory_space<hbm>> -> memref<64x768xf32, #tpu.memory_space<hbm>>
    %dma_start3A_42 = arith.constant 0 : i32
    %dma_start3A_43 = tpu.memref_slice %arg4[%dma_start3A_38, %multiple_of3A, %dma_start3A_42] : memref<1x8192x768xf32, #tpu.memory_space<hbm>> -> memref<1x64x768xf32, #tpu.memory_space<hbm>>
    %dma_start3A_44 = tpu.memref_squeeze %dma_start3A_43 : memref<1x64x768xf32, #tpu.memory_space<hbm>> -> memref<64x768xf32, #tpu.memory_space<hbm>>
    tpu.enqueue_dma source(%dma_start3A_44 : memref<64x768xf32, #tpu.memory_space<hbm>>) target(%arg7 : memref<64x768xf32, #tpu.memory_space<vmem>>) target_semaphore(%arg10 : memref<!tpu.dma_semaphore, #tpu.memory_space<semaphore_mem>>)
    %dma_wait3A = arith.constant 0 : i32
    %dma_wait3A_45 = arith.constant 0 : i32
    %dma_wait3A_46 = tpu.memref_slice %arg6[%dma_wait3A_45] : memref<256xi32, #tpu.memory_space<vmem>> -> memref<64xi32, #tpu.memory_space<vmem>>
    %dma_wait3A_47 = tpu.memref_slice %arg2[%dma_wait3A, %multiple_of3A] : memref<4x2048xi32, #tpu.memory_space<hbm>> -> memref<1x64xi32, #tpu.memory_space<hbm>>
    %dma_wait3A_48 = tpu.memref_squeeze %dma_wait3A_47 : memref<1x64xi32, #tpu.memory_space<hbm>> -> memref<64xi32, #tpu.memory_space<hbm>>
    %dma_wait3A_49 = arith.constant 0 : i32
    %dma_wait3A_50 = tpu.memref_slice %arg6[%dma_wait3A_49] : memref<256xi32, #tpu.memory_space<vmem>> -> memref<64xi32, #tpu.memory_space<vmem>>
    %dma_wait3A_51 = tpu.memref_slice %arg2[%dma_wait3A, %multiple_of3A] : memref<4x2048xi32, #tpu.memory_space<hbm>> -> memref<1x64xi32, #tpu.memory_space<hbm>>
    %dma_wait3A_52 = tpu.memref_squeeze %dma_wait3A_51 : memref<1x64xi32, #tpu.memory_space<hbm>> -> memref<64xi32, #tpu.memory_space<hbm>>
    tpu.wait_dma2 semaphore(%arg9 : memref<!tpu.dma_semaphore, #tpu.memory_space<semaphore_mem>>) src(%dma_wait3A_52 : memref<64xi32, #tpu.memory_space<hbm>>) dst(%dma_wait3A_50 : memref<64xi32, #tpu.memory_space<vmem>>)
    %dma_wait3A_53 = arith.constant 1 : i32
    %dma_wait3A_54 = arith.constant 64 : i32
    %dma_wait3A_55 = tpu.memref_slice %arg6[%dma_wait3A_54] : memref<256xi32, #tpu.memory_space<vmem>> -> memref<64xi32, #tpu.memory_space<vmem>>
    %dma_wait3A_56 = tpu.memref_slice %arg2[%dma_wait3A_53, %multiple_of3A] : memref<4x2048xi32, #tpu.memory_space<hbm>> -> memref<1x64xi32, #tpu.memory_space<hbm>>
    %dma_wait3A_57 = tpu.memref_squeeze %dma_wait3A_56 : memref<1x64xi32, #tpu.memory_space<hbm>> -> memref<64xi32, #tpu.memory_space<hbm>>
    %dma_wait3A_58 = arith.constant 64 : i32
    %dma_wait3A_59 = tpu.memref_slice %arg6[%dma_wait3A_58] : memref<256xi32, #tpu.memory_space<vmem>> -> memref<64xi32, #tpu.memory_space<vmem>>
    %dma_wait3A_60 = tpu.memref_slice %arg2[%dma_wait3A_53, %multiple_of3A] : memref<4x2048xi32, #tpu.memory_space<hbm>> -> memref<1x64xi32, #tpu.memory_space<hbm>>
    %dma_wait3A_61 = tpu.memref_squeeze %dma_wait3A_60 : memref<1x64xi32, #tpu.memory_space<hbm>> -> memref<64xi32, #tpu.memory_space<hbm>>
    tpu.wait_dma2 semaphore(%arg9 : memref<!tpu.dma_semaphore, #tpu.memory_space<semaphore_mem>>) src(%dma_wait3A_61 : memref<64xi32, #tpu.memory_space<hbm>>) dst(%dma_wait3A_59 : memref<64xi32, #tpu.memory_space<vmem>>)
    %dma_wait3A_62 = arith.constant 2 : i32
    %dma_wait3A_63 = arith.constant 128 : i32
    %dma_wait3A_64 = tpu.memref_slice %arg6[%dma_wait3A_63] : memref<256xi32, #tpu.memory_space<vmem>> -> memref<64xi32, #tpu.memory_space<vmem>>
    %dma_wait3A_65 = tpu.memref_slice %arg2[%dma_wait3A_62, %multiple_of3A] : memref<4x2048xi32, #tpu.memory_space<hbm>> -> memref<1x64xi32, #tpu.memory_space<hbm>>
    %dma_wait3A_66 = tpu.memref_squeeze %dma_wait3A_65 : memref<1x64xi32, #tpu.memory_space<hbm>> -> memref<64xi32, #tpu.memory_space<hbm>>
    %dma_wait3A_67 = arith.constant 128 : i32
    %dma_wait3A_68 = tpu.memref_slice %arg6[%dma_wait3A_67] : memref<256xi32, #tpu.memory_space<vmem>> -> memref<64xi32, #tpu.memory_space<vmem>>
    %dma_wait3A_69 = tpu.memref_slice %arg2[%dma_wait3A_62, %multiple_of3A] : memref<4x2048xi32, #tpu.memory_space<hbm>> -> memref<1x64xi32, #tpu.memory_space<hbm>>
    %dma_wait3A_70 = tpu.memref_squeeze %dma_wait3A_69 : memref<1x64xi32, #tpu.memory_space<hbm>> -> memref<64xi32, #tpu.memory_space<hbm>>
    tpu.wait_dma2 semaphore(%arg9 : memref<!tpu.dma_semaphore, #tpu.memory_space<semaphore_mem>>) src(%dma_wait3A_70 : memref<64xi32, #tpu.memory_space<hbm>>) dst(%dma_wait3A_68 : memref<64xi32, #tpu.memory_space<vmem>>)
    %dma_wait3A_71 = arith.constant 3 : i32
    %dma_wait3A_72 = arith.constant 192 : i32
    %dma_wait3A_73 = tpu.memref_slice %arg6[%dma_wait3A_72] : memref<256xi32, #tpu.memory_space<vmem>> -> memref<64xi32, #tpu.memory_space<vmem>>
    %dma_wait3A_74 = tpu.memref_slice %arg2[%dma_wait3A_71, %multiple_of3A] : memref<4x2048xi32, #tpu.memory_space<hbm>> -> memref<1x64xi32, #tpu.memory_space<hbm>>
    %dma_wait3A_75 = tpu.memref_squeeze %dma_wait3A_74 : memref<1x64xi32, #tpu.memory_space<hbm>> -> memref<64xi32, #tpu.memory_space<hbm>>
    %dma_wait3A_76 = arith.constant 192 : i32
    %dma_wait3A_77 = tpu.memref_slice %arg6[%dma_wait3A_76] : memref<256xi32, #tpu.memory_space<vmem>> -> memref<64xi32, #tpu.memory_space<vmem>>
    %dma_wait3A_78 = tpu.memref_slice %arg2[%dma_wait3A_71, %multiple_of3A] : memref<4x2048xi32, #tpu.memory_space<hbm>> -> memref<1x64xi32, #tpu.memory_space<hbm>>
    %dma_wait3A_79 = tpu.memref_squeeze %dma_wait3A_78 : memref<1x64xi32, #tpu.memory_space<hbm>> -> memref<64xi32, #tpu.memory_space<hbm>>
    tpu.wait_dma2 semaphore(%arg9 : memref<!tpu.dma_semaphore, #tpu.memory_space<semaphore_mem>>) src(%dma_wait3A_79 : memref<64xi32, #tpu.memory_space<hbm>>) dst(%dma_wait3A_77 : memref<64xi32, #tpu.memory_space<vmem>>)
    %and3A = arith.constant 0 : i32
    %and3A_80 = arith.constant 3 : i32
    %and3A_81 = arith.andi %and3A, %and3A_80 : i32
    %mul3A_82 = arith.constant 0 : i32
    %mul3A_83 = arith.constant 16 : i32
    %mul3A_84 = arith.muli %mul3A_82, %mul3A_83 : i32
    %multiple_of3A_85 = tpu.assume_multiple %mul3A_84, 8 : i32
    %dma_start3A_86 = arith.constant 0 : i32
    %dma_start3A_87 = arith.constant 0 : i32
    %dma_start3A_88 = tpu.memref_slice %arg8[%and3A_81, %dma_start3A_86, %dma_start3A_87] : memref<4x16x768xf32, #tpu.memory_space<vmem>> -> memref<1x16x768xf32, #tpu.memory_space<vmem>>
    %dma_start3A_89 = tpu.memref_squeeze %dma_start3A_88 : memref<1x16x768xf32, #tpu.memory_space<vmem>> -> memref<16x768xf32, #tpu.memory_space<vmem>>
    %dma_start3A_90 = tpu.memref_slice %arg6[%multiple_of3A_85] : memref<256xi32, #tpu.memory_space<vmem>> -> memref<16xi32, #tpu.memory_space<vmem>>
    %dma_start3A_91 = arith.constant 0 : i32
    %dma_start3A_92 = arith.constant 0 : i32
    %dma_start3A_93 = tpu.memref_slice %arg3[%dma_start3A_91, %dma_start3A_92] : memref<100000x768xf32, #tpu.memory_space<hbm>> -> memref<100000x768xf32, #tpu.memory_space<hbm>>
    tpu.enqueue_indirect_dma source(%dma_start3A_93 : memref<100000x768xf32, #tpu.memory_space<hbm>>) target(%dma_start3A_89 : memref<16x768xf32, #tpu.memory_space<vmem>>) offsets(%dma_start3A_90 : memref<16xi32, #tpu.memory_space<vmem>>) semaphore(%arg11 : memref<!tpu.dma_semaphore, #tpu.memory_space<semaphore_mem>>)
    %and3A_94 = arith.constant 1 : i32
    %and3A_95 = arith.constant 3 : i32
    %and3A_96 = arith.andi %and3A_94, %and3A_95 : i32
    %mul3A_97 = arith.constant 1 : i32
    %mul3A_98 = arith.constant 16 : i32
    %mul3A_99 = arith.muli %mul3A_97, %mul3A_98 : i32
    %multiple_of3A_100 = tpu.assume_multiple %mul3A_99, 8 : i32
    %dma_start3A_101 = arith.constant 0 : i32
    %dma_start3A_102 = arith.constant 0 : i32
    %dma_start3A_103 = tpu.memref_slice %arg8[%and3A_96, %dma_start3A_101, %dma_start3A_102] : memref<4x16x768xf32, #tpu.memory_space<vmem>> -> memref<1x16x768xf32, #tpu.memory_space<vmem>>
    %dma_start3A_104 = tpu.memref_squeeze %dma_start3A_103 : memref<1x16x768xf32, #tpu.memory_space<vmem>> -> memref<16x768xf32, #tpu.memory_space<vmem>>
    %dma_start3A_105 = tpu.memref_slice %arg6[%multiple_of3A_100] : memref<256xi32, #tpu.memory_space<vmem>> -> memref<16xi32, #tpu.memory_space<vmem>>
    %dma_start3A_106 = arith.constant 0 : i32
    %dma_start3A_107 = arith.constant 0 : i32
    %dma_start3A_108 = tpu.memref_slice %arg3[%dma_start3A_106, %dma_start3A_107] : memref<100000x768xf32, #tpu.memory_space<hbm>> -> memref<100000x768xf32, #tpu.memory_space<hbm>>
    tpu.enqueue_indirect_dma source(%dma_start3A_108 : memref<100000x768xf32, #tpu.memory_space<hbm>>) target(%dma_start3A_104 : memref<16x768xf32, #tpu.memory_space<vmem>>) offsets(%dma_start3A_105 : memref<16xi32, #tpu.memory_space<vmem>>) semaphore(%arg11 : memref<!tpu.dma_semaphore, #tpu.memory_space<semaphore_mem>>)
    %dma_wait3A_109 = arith.constant 0 : i32
    %dma_wait3A_110 = arith.constant 0 : i32
    %dma_wait3A_111 = tpu.memref_slice %arg4[%dma_wait3A_109, %multiple_of3A, %dma_wait3A_110] : memref<1x8192x768xf32, #tpu.memory_space<hbm>> -> memref<1x64x768xf32, #tpu.memory_space<hbm>>
    %dma_wait3A_112 = tpu.memref_squeeze %dma_wait3A_111 : memref<1x64x768xf32, #tpu.memory_space<hbm>> -> memref<64x768xf32, #tpu.memory_space<hbm>>
    %dma_wait3A_113 = arith.constant 0 : i32
    %dma_wait3A_114 = tpu.memref_slice %arg4[%dma_wait3A_109, %multiple_of3A, %dma_wait3A_113] : memref<1x8192x768xf32, #tpu.memory_space<hbm>> -> memref<1x64x768xf32, #tpu.memory_space<hbm>>
    %dma_wait3A_115 = tpu.memref_squeeze %dma_wait3A_114 : memref<1x64x768xf32, #tpu.memory_space<hbm>> -> memref<64x768xf32, #tpu.memory_space<hbm>>
    tpu.wait_dma2 semaphore(%arg10 : memref<!tpu.dma_semaphore, #tpu.memory_space<semaphore_mem>>) src(%dma_wait3A_115 : memref<64x768xf32, #tpu.memory_space<hbm>>) dst(%arg7 : memref<64x768xf32, #tpu.memory_space<vmem>>)
    %scan3A = arith.constant 0 : i32
    %scan3A_116 = arith.constant 0 : i32
    %scan3A_117 = arith.constant 16 : i32
    %scan3A_118 = arith.addi %scan3A_116, %scan3A_117 : i32
    %scan3A_119 = arith.constant 1 : i32
    scf.for %scan3A_228 = %scan3A_116 to %scan3A_118 step %scan3A_119  : i32 {
      %add3A_229 = arith.constant 2 : i32
      %add3A_230 = arith.addi %scan3A_228, %add3A_229 : i32
      %lt3A = arith.constant 16 : i32
      %lt3A_231 = arith.cmpi slt, %add3A_230, %lt3A : i32
      %convert_element_type3A = arith.extui %lt3A_231 : i1 to i32
      %cond3A = arith.constant 0 : i32
      %cond3A_232 = arith.cmpi ne, %convert_element_type3A, %cond3A : i32
      scf.if %cond3A_232 {
        %ge3A = arith.constant 2 : i32
        %ge3A_276 = arith.cmpi sge, %scan3A_228, %ge3A : i32
        %convert_element_type3A_277 = arith.extui %ge3A_276 : i1 to i32
        %cond3A_278 = arith.constant 0 : i32
        %cond3A_279 = arith.cmpi ne, %convert_element_type3A_277, %cond3A_278 : i32
        scf.if %cond3A_279 {
          %sub3A = arith.constant 2 : i32
          %sub3A_295 = arith.subi %scan3A_228, %sub3A : i32
          %and3A_296 = arith.constant 3 : i32
          %and3A_297 = arith.andi %sub3A_295, %and3A_296 : i32
          %shift_right_logical3A_298 = arith.constant 2 : i32
          %shift_right_logical3A_299 = arith.shrui %sub3A_295, %shift_right_logical3A_298 : i32
          %and3A_300 = arith.constant 3 : i32
          %and3A_301 = arith.andi %sub3A_295, %and3A_300 : i32
          %mul3A_302 = arith.constant 16 : i32
          %mul3A_303 = arith.muli %and3A_301, %mul3A_302 : i32
          %add3A_304 = arith.addi %multiple_of3A, %mul3A_303 : i32
          %multiple_of3A_305 = tpu.assume_multiple %add3A_304, 8 : i32
          %dma_wait3A_306 = arith.constant 0 : i32
          %dma_wait3A_307 = arith.constant 0 : i32
          %dma_wait3A_308 = tpu.memref_slice %arg8[%and3A_297, %dma_wait3A_306, %dma_wait3A_307] : memref<4x16x768xf32, #tpu.memory_space<vmem>> -> memref<1x16x768xf32, #tpu.memory_space<vmem>>
          %dma_wait3A_309 = tpu.memref_squeeze %dma_wait3A_308 : memref<1x16x768xf32, #tpu.memory_space<vmem>> -> memref<16x768xf32, #tpu.memory_space<vmem>>
          %dma_wait3A_310 = arith.constant 0 : i32
          %dma_wait3A_311 = tpu.memref_slice %arg5[%shift_right_logical3A_299, %multiple_of3A_305, %dma_wait3A_310] : memref<4x2048x768xf32, #tpu.memory_space<hbm>> -> memref<1x16x768xf32, #tpu.memory_space<hbm>>
          %dma_wait3A_312 = tpu.memref_squeeze %dma_wait3A_311 : memref<1x16x768xf32, #tpu.memory_space<hbm>> -> memref<16x768xf32, #tpu.memory_space<hbm>>
          %dma_wait3A_313 = arith.constant 0 : i32
          %dma_wait3A_314 = tpu.memref_slice %arg5[%shift_right_logical3A_299, %multiple_of3A_305, %dma_wait3A_313] : memref<4x2048x768xf32, #tpu.memory_space<hbm>> -> memref<1x16x768xf32, #tpu.memory_space<hbm>>
          %dma_wait3A_315 = tpu.memref_squeeze %dma_wait3A_314 : memref<1x16x768xf32, #tpu.memory_space<hbm>> -> memref<16x768xf32, #tpu.memory_space<hbm>>
          %dma_wait3A_316 = arith.constant 0 : i32
          %dma_wait3A_317 = arith.constant 0 : i32
          %dma_wait3A_318 = tpu.memref_slice %arg8[%and3A_297, %dma_wait3A_316, %dma_wait3A_317] : memref<4x16x768xf32, #tpu.memory_space<vmem>> -> memref<1x16x768xf32, #tpu.memory_space<vmem>>
          %dma_wait3A_319 = tpu.memref_squeeze %dma_wait3A_318 : memref<1x16x768xf32, #tpu.memory_space<vmem>> -> memref<16x768xf32, #tpu.memory_space<vmem>>
          tpu.wait_dma2 semaphore(%arg12 : memref<!tpu.dma_semaphore, #tpu.memory_space<semaphore_mem>>) src(%dma_wait3A_319 : memref<16x768xf32, #tpu.memory_space<vmem>>) dst(%dma_wait3A_315 : memref<16x768xf32, #tpu.memory_space<hbm>>)
        } else {
        }
        %add3A_280 = arith.constant 2 : i32
        %add3A_281 = arith.addi %scan3A_228, %add3A_280 : i32
        %and3A_282 = arith.constant 3 : i32
        %and3A_283 = arith.andi %add3A_281, %and3A_282 : i32
        %mul3A_284 = arith.constant 16 : i32
        %mul3A_285 = arith.muli %add3A_281, %mul3A_284 : i32
        %multiple_of3A_286 = tpu.assume_multiple %mul3A_285, 8 : i32
        %dma_start3A_287 = arith.constant 0 : i32
        %dma_start3A_288 = arith.constant 0 : i32
        %dma_start3A_289 = tpu.memref_slice %arg8[%and3A_283, %dma_start3A_287, %dma_start3A_288] : memref<4x16x768xf32, #tpu.memory_space<vmem>> -> memref<1x16x768xf32, #tpu.memory_space<vmem>>
        %dma_start3A_290 = tpu.memref_squeeze %dma_start3A_289 : memref<1x16x768xf32, #tpu.memory_space<vmem>> -> memref<16x768xf32, #tpu.memory_space<vmem>>
        %dma_start3A_291 = tpu.memref_slice %arg6[%multiple_of3A_286] : memref<256xi32, #tpu.memory_space<vmem>> -> memref<16xi32, #tpu.memory_space<vmem>>
        %dma_start3A_292 = arith.constant 0 : i32
        %dma_start3A_293 = arith.constant 0 : i32
        %dma_start3A_294 = tpu.memref_slice %arg3[%dma_start3A_292, %dma_start3A_293] : memref<100000x768xf32, #tpu.memory_space<hbm>> -> memref<100000x768xf32, #tpu.memory_space<hbm>>
        tpu.enqueue_indirect_dma source(%dma_start3A_294 : memref<100000x768xf32, #tpu.memory_space<hbm>>) target(%dma_start3A_290 : memref<16x768xf32, #tpu.memory_space<vmem>>) offsets(%dma_start3A_291 : memref<16xi32, #tpu.memory_space<vmem>>) semaphore(%arg11 : memref<!tpu.dma_semaphore, #tpu.memory_space<semaphore_mem>>)
      } else {
      }
      %and3A_233 = arith.constant 3 : i32
      %and3A_234 = arith.andi %scan3A_228, %and3A_233 : i32
      %mul3A_235 = arith.constant 16 : i32
      %mul3A_236 = arith.muli %scan3A_228, %mul3A_235 : i32
      %multiple_of3A_237 = tpu.assume_multiple %mul3A_236, 8 : i32
      %dma_wait3A_238 = arith.constant 0 : i32
      %dma_wait3A_239 = arith.constant 0 : i32
      %dma_wait3A_240 = tpu.memref_slice %arg8[%and3A_234, %dma_wait3A_238, %dma_wait3A_239] : memref<4x16x768xf32, #tpu.memory_space<vmem>> -> memref<1x16x768xf32, #tpu.memory_space<vmem>>
      %dma_wait3A_241 = tpu.memref_squeeze %dma_wait3A_240 : memref<1x16x768xf32, #tpu.memory_space<vmem>> -> memref<16x768xf32, #tpu.memory_space<vmem>>
      %dma_wait3A_242 = tpu.memref_slice %arg6[%multiple_of3A_237] : memref<256xi32, #tpu.memory_space<vmem>> -> memref<16xi32, #tpu.memory_space<vmem>>
      %dma_wait3A_243 = arith.constant 0 : i32
      %dma_wait3A_244 = arith.constant 0 : i32
      %dma_wait3A_245 = tpu.memref_slice %arg3[%dma_wait3A_243, %dma_wait3A_244] : memref<100000x768xf32, #tpu.memory_space<hbm>> -> memref<100000x768xf32, #tpu.memory_space<hbm>>
      tpu.wait_indirect_dma semaphore(%arg11 : memref<!tpu.dma_semaphore, #tpu.memory_space<semaphore_mem>>) src(%dma_wait3A_245 : memref<100000x768xf32, #tpu.memory_space<hbm>>) dst(%dma_wait3A_241 : memref<16x768xf32, #tpu.memory_space<vmem>>)
      %and3A_246 = arith.constant 3 : i32
      %and3A_247 = arith.andi %scan3A_228, %and3A_246 : i32
      %and3A_248 = arith.constant 3 : i32
      %and3A_249 = arith.andi %scan3A_228, %and3A_248 : i32
      %parallel_loop3A = arith.constant 0 : i32
      %parallel_loop3A_250 = arith.constant 16 : i32
      %parallel_loop3A_251 = arith.constant 1 : i32
      scf.for %parallel_loop3A_276 = %parallel_loop3A to %parallel_loop3A_250 step %parallel_loop3A_251  : i32 {
        %parallel_loop3A_277 = arith.constant 16 : i32
        %parallel_loop3A_278 = arith.muli %and3A_249, %parallel_loop3A_277 : i32
        %parallel_loop3A_279 = arith.addi %parallel_loop3A_278, %parallel_loop3A_276 : i32
        %parallel_loop3A_280 = arith.index_cast %parallel_loop3A_279 : i32 to index
        %parallel_loop3A_281 = arith.constant 0 : index
        %parallel_loop3A_282 = tpu.vector_load %arg7[%parallel_loop3A_280, %parallel_loop3A_281] {strides = array<i32>} : memref<64x768xf32, #tpu.memory_space<vmem>>, vector<1x16xf32>,
        %parallel_loop3A_283 = vector.shape_cast %parallel_loop3A_282 : vector<1x16xf32> to vector<16xf32>
        %parallel_loop3A_284 = arith.index_cast %and3A_247 : i32 to index
        %parallel_loop3A_285 = arith.index_cast %parallel_loop3A_276 : i32 to index
        %parallel_loop3A_286 = arith.constant 0 : index
        %parallel_loop3A_287 = tpu.vector_load %arg8[%parallel_loop3A_284, %parallel_loop3A_285, %parallel_loop3A_286] {strides = array<i32>} : memref<4x16x768xf32, #tpu.memory_space<vmem>>, vector<1x1x16xf32>,
        %parallel_loop3A_288 = vector.shape_cast %parallel_loop3A_287 : vector<1x1x16xf32> to vector<16xf32>
        %parallel_loop3A_289 = vector.shape_cast %parallel_loop3A_283 : vector<16xf32> to vector<1x1x16xf32>
        tpu.vector_store %arg8[%parallel_loop3A_284, %parallel_loop3A_285, %parallel_loop3A_286], %parallel_loop3A_289 {add = true, strides = array<i32>} : memref<4x16x768xf32, #tpu.memory_space<vmem>>, vector<1x1x16xf32>,
        %parallel_loop3A_290 = arith.constant 16 : i32
        %parallel_loop3A_291 = arith.muli %and3A_249, %parallel_loop3A_290 : i32
        %parallel_loop3A_292 = arith.addi %parallel_loop3A_291, %parallel_loop3A_276 : i32
        %parallel_loop3A_293 = arith.index_cast %parallel_loop3A_292 : i32 to index
        %parallel_loop3A_294 = arith.constant 16 : index
        %parallel_loop3A_295 = tpu.vector_load %arg7[%parallel_loop3A_293, %parallel_loop3A_294] {strides = array<i32>} : memref<64x768xf32, #tpu.memory_space<vmem>>, vector<1x16xf32>,
        %parallel_loop3A_296 = vector.shape_cast %parallel_loop3A_295 : vector<1x16xf32> to vector<16xf32>
        %parallel_loop3A_297 = arith.index_cast %and3A_247 : i32 to index
        %parallel_loop3A_298 = arith.index_cast %parallel_loop3A_276 : i32 to index
        %parallel_loop3A_299 = arith.constant 16 : index
        %parallel_loop3A_300 = tpu.vector_load %arg8[%parallel_loop3A_297, %parallel_loop3A_298, %parallel_loop3A_299] {strides = array<i32>} : memref<4x16x768xf32, #tpu.memory_space<vmem>>, vector<1x1x16xf32>,
        %parallel_loop3A_301 = vector.shape_cast %parallel_loop3A_300 : vector<1x1x16xf32> to vector<16xf32>
        %parallel_loop3A_302 = vector.shape_cast %parallel_loop3A_296 : vector<16xf32> to vector<1x1x16xf32>
        tpu.vector_store %arg8[%parallel_loop3A_297, %parallel_loop3A_298, %parallel_loop3A_299], %parallel_loop3A_302 {add = true, strides = array<i32>} : memref<4x16x768xf32, #tpu.memory_space<vmem>>, vector<1x1x16xf32>,
        %parallel_loop3A_303 = arith.constant 16 : i32
        %parallel_loop3A_304 = arith.muli %and3A_249, %parallel_loop3A_303 : i32
        %parallel_loop3A_305 = arith.addi %parallel_loop3A_304, %parallel_loop3A_276 : i32
        %parallel_loop3A_306 = arith.index_cast %parallel_loop3A_305 : i32 to index
        %parallel_loop3A_307 = arith.constant 32 : index
        %parallel_loop3A_308 = tpu.vector_load %arg7[%parallel_loop3A_306, %parallel_loop3A_307] {strides = array<i32>} : memref<64x768xf32, #tpu.memory_space<vmem>>, vector<1x16xf32>,
        %parallel_loop3A_309 = vector.shape_cast %parallel_loop3A_308 : vector<1x16xf32> to vector<16xf32>
        %parallel_loop3A_310 = arith.index_cast %and3A_247 : i32 to index
        %parallel_loop3A_311 = arith.index_cast %parallel_loop3A_276 : i32 to index
        %parallel_loop3A_312 = arith.constant 32 : index
        %parallel_loop3A_313 = tpu.vector_load %arg8[%parallel_loop3A_310, %parallel_loop3A_311, %parallel_loop3A_312] {strides = array<i32>} : memref<4x16x768xf32, #tpu.memory_space<vmem>>, vector<1x1x16xf32>,
        %parallel_loop3A_314 = vector.shape_cast %parallel_loop3A_313 : vector<1x1x16xf32> to vector<16xf32>
        %parallel_loop3A_315 = vector.shape_cast %parallel_loop3A_309 : vector<16xf32> to vector<1x1x16xf32>
        tpu.vector_store %arg8[%parallel_loop3A_310, %parallel_loop3A_311, %parallel_loop3A_312], %parallel_loop3A_315 {add = true, strides = array<i32>} : memref<4x16x768xf32, #tpu.memory_space<vmem>>, vector<1x1x16xf32>,
        %parallel_loop3A_316 = arith.constant 16 : i32
        %parallel_loop3A_317 = arith.muli %and3A_249, %parallel_loop3A_316 : i32
        %parallel_loop3A_318 = arith.addi %parallel_loop3A_317, %parallel_loop3A_276 : i32
        %parallel_loop3A_319 = arith.index_cast %parallel_loop3A_318 : i32 to index
        %parallel_loop3A_320 = arith.constant 48 : index
        %parallel_loop3A_321 = tpu.vector_load %arg7[%parallel_loop3A_319, %parallel_loop3A_320] {strides = array<i32>} : memref<64x768xf32, #tpu.memory_space<vmem>>, vector<1x16xf32>,
        %parallel_loop3A_322 = vector.shape_cast %parallel_loop3A_321 : vector<1x16xf32> to vector<16xf32>
        %parallel_loop3A_323 = arith.index_cast %and3A_247 : i32 to index
        %parallel_loop3A_324 = arith.index_cast %parallel_loop3A_276 : i32 to index
        %parallel_loop3A_325 = arith.constant 48 : index
        %parallel_loop3A_326 = tpu.vector_load %arg8[%parallel_loop3A_323, %parallel_loop3A_324, %parallel_loop3A_325] {strides = array<i32>} : memref<4x16x768xf32, #tpu.memory_space<vmem>>, vector<1x1x16xf32>,
        %parallel_loop3A_327 = vector.shape_cast %parallel_loop3A_326 : vector<1x1x16xf32> to vector<16xf32>
        %parallel_loop3A_328 = vector.shape_cast %parallel_loop3A_322 : vector<16xf32> to vector<1x1x16xf32>
        tpu.vector_store %arg8[%parallel_loop3A_323, %parallel_loop3A_324, %parallel_loop3A_325], %parallel_loop3A_328 {add = true, strides = array<i32>} : memref<4x16x768xf32, #tpu.memory_space<vmem>>, vector<1x1x16xf32>,
        %parallel_loop3A_329 = arith.constant 16 : i32
        %parallel_loop3A_330 = arith.muli %and3A_249, %parallel_loop3A_329 : i32
        %parallel_loop3A_331 = arith.addi %parallel_loop3A_330, %parallel_loop3A_276 : i32
        %parallel_loop3A_332 = arith.index_cast %parallel_loop3A_331 : i32 to index
        %parallel_loop3A_333 = arith.constant 64 : index
        %parallel_loop3A_334 = tpu.vector_load %arg7[%parallel_loop3A_332, %parallel_loop3A_333] {strides = array<i32>} : memref<64x768xf32, #tpu.memory_space<vmem>>, vector<1x16xf32>,
        %parallel_loop3A_335 = vector.shape_cast %parallel_loop3A_334 : vector<1x16xf32> to vector<16xf32>
        %parallel_loop3A_336 = arith.index_cast %and3A_247 : i32 to index
        %parallel_loop3A_337 = arith.index_cast %parallel_loop3A_276 : i32 to index
        %parallel_loop3A_338 = arith.constant 64 : index
        %parallel_loop3A_339 = tpu.vector_load %arg8[%parallel_loop3A_336, %parallel_loop3A_337, %parallel_loop3A_338] {strides = array<i32>} : memref<4x16x768xf32, #tpu.memory_space<vmem>>, vector<1x1x16xf32>,
        %parallel_loop3A_340 = vector.shape_cast %parallel_loop3A_339 : vector<1x1x16xf32> to vector<16xf32>
        %parallel_loop3A_341 = vector.shape_cast %parallel_loop3A_335 : vector<16xf32> to vector<1x1x16xf32>
        tpu.vector_store %arg8[%parallel_loop3A_336, %parallel_loop3A_337, %parallel_loop3A_338], %parallel_loop3A_341 {add = true, strides = array<i32>} : memref<4x16x768xf32, #tpu.memory_space<vmem>>, vector<1x1x16xf32>,
        %parallel_loop3A_342 = arith.constant 16 : i32
        %parallel_loop3A_343 = arith.muli %and3A_249, %parallel_loop3A_342 : i32
        %parallel_loop3A_344 = arith.addi %parallel_loop3A_343, %parallel_loop3A_276 : i32
        %parallel_loop3A_345 = arith.index_cast %parallel_loop3A_344 : i32 to index
        %parallel_loop3A_346 = arith.constant 80 : index
        %parallel_loop3A_347 = tpu.vector_load %arg7[%parallel_loop3A_345, %parallel_loop3A_346] {strides = array<i32>} : memref<64x768xf32, #tpu.memory_space<vmem>>, vector<1x16xf32>,
        %parallel_loop3A_348 = vector.shape_cast %parallel_loop3A_347 : vector<1x16xf32> to vector<16xf32>
        %parallel_loop3A_349 = arith.index_cast %and3A_247 : i32 to index
        %parallel_loop3A_350 = arith.index_cast %parallel_loop3A_276 : i32 to index
        %parallel_loop3A_351 = arith.constant 80 : index
        %parallel_loop3A_352 = tpu.vector_load %arg8[%parallel_loop3A_349, %parallel_loop3A_350, %parallel_loop3A_351] {strides = array<i32>} : memref<4x16x768xf32, #tpu.memory_space<vmem>>, vector<1x1x16xf32>,
        %parallel_loop3A_353 = vector.shape_cast %parallel_loop3A_352 : vector<1x1x16xf32> to vector<16xf32>
        %parallel_loop3A_354 = vector.shape_cast %parallel_loop3A_348 : vector<16xf32> to vector<1x1x16xf32>
        tpu.vector_store %arg8[%parallel_loop3A_349, %parallel_loop3A_350, %parallel_loop3A_351], %parallel_loop3A_354 {add = true, strides = array<i32>} : memref<4x16x768xf32, #tpu.memory_space<vmem>>, vector<1x1x16xf32>,
        %parallel_loop3A_355 = arith.constant 16 : i32
        %parallel_loop3A_356 = arith.muli %and3A_249, %parallel_loop3A_355 : i32
        %parallel_loop3A_357 = arith.addi %parallel_loop3A_356, %parallel_loop3A_276 : i32
        %parallel_loop3A_358 = arith.index_cast %parallel_loop3A_357 : i32 to index
        %parallel_loop3A_359 = arith.constant 96 : index
        %parallel_loop3A_360 = tpu.vector_load %arg7[%parallel_loop3A_358, %parallel_loop3A_359] {strides = array<i32>} : memref<64x768xf32, #tpu.memory_space<vmem>>, vector<1x16xf32>,
        %parallel_loop3A_361 = vector.shape_cast %parallel_loop3A_360 : vector<1x16xf32> to vector<16xf32>
        %parallel_loop3A_362 = arith.index_cast %and3A_247 : i32 to index
        %parallel_loop3A_363 = arith.index_cast %parallel_loop3A_276 : i32 to index
        %parallel_loop3A_364 = arith.constant 96 : index
        %parallel_loop3A_365 = tpu.vector_load %arg8[%parallel_loop3A_362, %parallel_loop3A_363, %parallel_loop3A_364] {strides = array<i32>} : memref<4x16x768xf32, #tpu.memory_space<vmem>>, vector<1x1x16xf32>,
        %parallel_loop3A_366 = vector.shape_cast %parallel_loop3A_365 : vector<1x1x16xf32> to vector<16xf32>
        %parallel_loop3A_367 = vector.shape_cast %parallel_loop3A_361 : vector<16xf32> to vector<1x1x16xf32>
        tpu.vector_store %arg8[%parallel_loop3A_362, %parallel_loop3A_363, %parallel_loop3A_364], %parallel_loop3A_367 {add = true, strides = array<i32>} : memref<4x16x768xf32, #tpu.memory_space<vmem>>, vector<1x1x16xf32>,
        %parallel_loop3A_368 = arith.constant 16 : i32
        %parallel_loop3A_369 = arith.muli %and3A_249, %parallel_loop3A_368 : i32
        %parallel_loop3A_370 = arith.addi %parallel_loop3A_369, %parallel_loop3A_276 : i32
        %parallel_loop3A_371 = arith.index_cast %parallel_loop3A_370 : i32 to index
        %parallel_loop3A_372 = arith.constant 112 : index
        %parallel_loop3A_373 = tpu.vector_load %arg7[%parallel_loop3A_371, %parallel_loop3A_372] {strides = array<i32>} : memref<64x768xf32, #tpu.memory_space<vmem>>, vector<1x16xf32>,
        %parallel_loop3A_374 = vector.shape_cast %parallel_loop3A_373 : vector<1x16xf32> to vector<16xf32>
        %parallel_loop3A_375 = arith.index_cast %and3A_247 : i32 to index
        %parallel_loop3A_376 = arith.index_cast %parallel_loop3A_276 : i32 to index
        %parallel_loop3A_377 = arith.constant 112 : index
        %parallel_loop3A_378 = tpu.vector_load %arg8[%parallel_loop3A_375, %parallel_loop3A_376, %parallel_loop3A_377] {strides = array<i32>} : memref<4x16x768xf32, #tpu.memory_space<vmem>>, vector<1x1x16xf32>,
        %parallel_loop3A_379 = vector.shape_cast %parallel_loop3A_378 : vector<1x1x16xf32> to vector<16xf32>
        %parallel_loop3A_380 = vector.shape_cast %parallel_loop3A_374 : vector<16xf32> to vector<1x1x16xf32>
        tpu.vector_store %arg8[%parallel_loop3A_375, %parallel_loop3A_376, %parallel_loop3A_377], %parallel_loop3A_380 {add = true, strides = array<i32>} : memref<4x16x768xf32, #tpu.memory_space<vmem>>, vector<1x1x16xf32>,
        %parallel_loop3A_381 = arith.constant 16 : i32
        %parallel_loop3A_382 = arith.muli %and3A_249, %parallel_loop3A_381 : i32
        %parallel_loop3A_383 = arith.addi %parallel_loop3A_382, %parallel_loop3A_276 : i32
        %parallel_loop3A_384 = arith.index_cast %parallel_loop3A_383 : i32 to index
        %parallel_loop3A_385 = arith.constant 128 : index
        %parallel_loop3A_386 = tpu.vector_load %arg7[%parallel_loop3A_384, %parallel_loop3A_385] {strides = array<i32>} : memref<64x768xf32, #tpu.memory_space<vmem>>, vector<1x16xf32>,
        %parallel_loop3A_387 = vector.shape_cast %parallel_loop3A_386 : vector<1x16xf32> to vector<16xf32>
        %parallel_loop3A_388 = arith.index_cast %and3A_247 : i32 to index
        %parallel_loop3A_389 = arith.index_cast %parallel_loop3A_276 : i32 to index
        %parallel_loop3A_390 = arith.constant 128 : index
        %parallel_loop3A_391 = tpu.vector_load %arg8[%parallel_loop3A_388, %parallel_loop3A_389, %parallel_loop3A_390] {strides = array<i32>} : memref<4x16x768xf32, #tpu.memory_space<vmem>>, vector<1x1x16xf32>,
        %parallel_loop3A_392 = vector.shape_cast %parallel_loop3A_391 : vector<1x1x16xf32> to vector<16xf32>
        %parallel_loop3A_393 = vector.shape_cast %parallel_loop3A_387 : vector<16xf32> to vector<1x1x16xf32>
        tpu.vector_store %arg8[%parallel_loop3A_388, %parallel_loop3A_389, %parallel_loop3A_390], %parallel_loop3A_393 {add = true, strides = array<i32>} : memref<4x16x768xf32, #tpu.memory_space<vmem>>, vector<1x1x16xf32>,
        %parallel_loop3A_394 = arith.constant 16 : i32
        %parallel_loop3A_395 = arith.muli %and3A_249, %parallel_loop3A_394 : i32
        %parallel_loop3A_396 = arith.addi %parallel_loop3A_395, %parallel_loop3A_276 : i32
        %parallel_loop3A_397 = arith.index_cast %parallel_loop3A_396 : i32 to index
        %parallel_loop3A_398 = arith.constant 144 : index
        %parallel_loop3A_399 = tpu.vector_load %arg7[%parallel_loop3A_397, %parallel_loop3A_398] {strides = array<i32>} : memref<64x768xf32, #tpu.memory_space<vmem>>, vector<1x16xf32>,
        %parallel_loop3A_400 = vector.shape_cast %parallel_loop3A_399 : vector<1x16xf32> to vector<16xf32>
        %parallel_loop3A_401 = arith.index_cast %and3A_247 : i32 to index
        %parallel_loop3A_402 = arith.index_cast %parallel_loop3A_276 : i32 to index
        %parallel_loop3A_403 = arith.constant 144 : index
        %parallel_loop3A_404 = tpu.vector_load %arg8[%parallel_loop3A_401, %parallel_loop3A_402, %parallel_loop3A_403] {strides = array<i32>} : memref<4x16x768xf32, #tpu.memory_space<vmem>>, vector<1x1x16xf32>,
        %parallel_loop3A_405 = vector.shape_cast %parallel_loop3A_404 : vector<1x1x16xf32> to vector<16xf32>
        %parallel_loop3A_406 = vector.shape_cast %parallel_loop3A_400 : vector<16xf32> to vector<1x1x16xf32>
        tpu.vector_store %arg8[%parallel_loop3A_401, %parallel_loop3A_402, %parallel_loop3A_403], %parallel_loop3A_406 {add = true, strides = array<i32>} : memref<4x16x768xf32, #tpu.memory_space<vmem>>, vector<1x1x16xf32>,
        %parallel_loop3A_407 = arith.constant 16 : i32
        %parallel_loop3A_408 = arith.muli %and3A_249, %parallel_loop3A_407 : i32
        %parallel_loop3A_409 = arith.addi %parallel_loop3A_408, %parallel_loop3A_276 : i32
        %parallel_loop3A_410 = arith.index_cast %parallel_loop3A_409 : i32 to index
        %parallel_loop3A_411 = arith.constant 160 : index
        %parallel_loop3A_412 = tpu.vector_load %arg7[%parallel_loop3A_410, %parallel_loop3A_411] {strides = array<i32>} : memref<64x768xf32, #tpu.memory_space<vmem>>, vector<1x16xf32>,
        %parallel_loop3A_413 = vector.shape_cast %parallel_loop3A_412 : vector<1x16xf32> to vector<16xf32>
        %parallel_loop3A_414 = arith.index_cast %and3A_247 : i32 to index
        %parallel_loop3A_415 = arith.index_cast %parallel_loop3A_276 : i32 to index
        %parallel_loop3A_416 = arith.constant 160 : index
        %parallel_loop3A_417 = tpu.vector_load %arg8[%parallel_loop3A_414, %parallel_loop3A_415, %parallel_loop3A_416] {strides = array<i32>} : memref<4x16x768xf32, #tpu.memory_space<vmem>>, vector<1x1x16xf32>,
        %parallel_loop3A_418 = vector.shape_cast %parallel_loop3A_417 : vector<1x1x16xf32> to vector<16xf32>
        %parallel_loop3A_419 = vector.shape_cast %parallel_loop3A_413 : vector<16xf32> to vector<1x1x16xf32>
        tpu.vector_store %arg8[%parallel_loop3A_414, %parallel_loop3A_415, %parallel_loop3A_416], %parallel_loop3A_419 {add = true, strides = array<i32>} : memref<4x16x768xf32, #tpu.memory_space<vmem>>, vector<1x1x16xf32>,
        %parallel_loop3A_420 = arith.constant 16 : i32
        %parallel_loop3A_421 = arith.muli %and3A_249, %parallel_loop3A_420 : i32
        %parallel_loop3A_422 = arith.addi %parallel_loop3A_421, %parallel_loop3A_276 : i32
        %parallel_loop3A_423 = arith.index_cast %parallel_loop3A_422 : i32 to index
        %parallel_loop3A_424 = arith.constant 176 : index
        %parallel_loop3A_425 = tpu.vector_load %arg7[%parallel_loop3A_423, %parallel_loop3A_424] {strides = array<i32>} : memref<64x768xf32, #tpu.memory_space<vmem>>, vector<1x16xf32>,
        %parallel_loop3A_426 = vector.shape_cast %parallel_loop3A_425 : vector<1x16xf32> to vector<16xf32>
        %parallel_loop3A_427 = arith.index_cast %and3A_247 : i32 to index
        %parallel_loop3A_428 = arith.index_cast %parallel_loop3A_276 : i32 to index
        %parallel_loop3A_429 = arith.constant 176 : index
        %parallel_loop3A_430 = tpu.vector_load %arg8[%parallel_loop3A_427, %parallel_loop3A_428, %parallel_loop3A_429] {strides = array<i32>} : memref<4x16x768xf32, #tpu.memory_space<vmem>>, vector<1x1x16xf32>,
        %parallel_loop3A_431 = vector.shape_cast %parallel_loop3A_430 : vector<1x1x16xf32> to vector<16xf32>
        %parallel_loop3A_432 = vector.shape_cast %parallel_loop3A_426 : vector<16xf32> to vector<1x1x16xf32>
        tpu.vector_store %arg8[%parallel_loop3A_427, %parallel_loop3A_428, %parallel_loop3A_429], %parallel_loop3A_432 {add = true, strides = array<i32>} : memref<4x16x768xf32, #tpu.memory_space<vmem>>, vector<1x1x16xf32>,
        %parallel_loop3A_433 = arith.constant 16 : i32
        %parallel_loop3A_434 = arith.muli %and3A_249, %parallel_loop3A_433 : i32
        %parallel_loop3A_435 = arith.addi %parallel_loop3A_434, %parallel_loop3A_276 : i32
        %parallel_loop3A_436 = arith.index_cast %parallel_loop3A_435 : i32 to index
        %parallel_loop3A_437 = arith.constant 192 : index
        %parallel_loop3A_438 = tpu.vector_load %arg7[%parallel_loop3A_436, %parallel_loop3A_437] {strides = array<i32>} : memref<64x768xf32, #tpu.memory_space<vmem>>, vector<1x16xf32>,
        %parallel_loop3A_439 = vector.shape_cast %parallel_loop3A_438 : vector<1x16xf32> to vector<16xf32>
        %parallel_loop3A_440 = arith.index_cast %and3A_247 : i32 to index
        %parallel_loop3A_441 = arith.index_cast %parallel_loop3A_276 : i32 to index
        %parallel_loop3A_442 = arith.constant 192 : index
        %parallel_loop3A_443 = tpu.vector_load %arg8[%parallel_loop3A_440, %parallel_loop3A_441, %parallel_loop3A_442] {strides = array<i32>} : memref<4x16x768xf32, #tpu.memory_space<vmem>>, vector<1x1x16xf32>,
        %parallel_loop3A_444 = vector.shape_cast %parallel_loop3A_443 : vector<1x1x16xf32> to vector<16xf32>
        %parallel_loop3A_445 = vector.shape_cast %parallel_loop3A_439 : vector<16xf32> to vector<1x1x16xf32>
        tpu.vector_store %arg8[%parallel_loop3A_440, %parallel_loop3A_441, %parallel_loop3A_442], %parallel_loop3A_445 {add = true, strides = array<i32>} : memref<4x16x768xf32, #tpu.memory_space<vmem>>, vector<1x1x16xf32>,
        %parallel_loop3A_446 = arith.constant 16 : i32
        %parallel_loop3A_447 = arith.muli %and3A_249, %parallel_loop3A_446 : i32
        %parallel_loop3A_448 = arith.addi %parallel_loop3A_447, %parallel_loop3A_276 : i32
        %parallel_loop3A_449 = arith.index_cast %parallel_loop3A_448 : i32 to index
        %parallel_loop3A_450 = arith.constant 208 : index
        %parallel_loop3A_451 = tpu.vector_load %arg7[%parallel_loop3A_449, %parallel_loop3A_450] {strides = array<i32>} : memref<64x768xf32, #tpu.memory_space<vmem>>, vector<1x16xf32>,
        %parallel_loop3A_452 = vector.shape_cast %parallel_loop3A_451 : vector<1x16xf32> to vector<16xf32>
        %parallel_loop3A_453 = arith.index_cast %and3A_247 : i32 to index
        %parallel_loop3A_454 = arith.index_cast %parallel_loop3A_276 : i32 to index
        %parallel_loop3A_455 = arith.constant 208 : index
        %parallel_loop3A_456 = tpu.vector_load %arg8[%parallel_loop3A_453, %parallel_loop3A_454, %parallel_loop3A_455] {strides = array<i32>} : memref<4x16x768xf32, #tpu.memory_space<vmem>>, vector<1x1x16xf32>,
        %parallel_loop3A_457 = vector.shape_cast %parallel_loop3A_456 : vector<1x1x16xf32> to vector<16xf32>
        %parallel_loop3A_458 = vector.shape_cast %parallel_loop3A_452 : vector<16xf32> to vector<1x1x16xf32>
        tpu.vector_store %arg8[%parallel_loop3A_453, %parallel_loop3A_454, %parallel_loop3A_455], %parallel_loop3A_458 {add = true, strides = array<i32>} : memref<4x16x768xf32, #tpu.memory_space<vmem>>, vector<1x1x16xf32>,
        %parallel_loop3A_459 = arith.constant 16 : i32
        %parallel_loop3A_460 = arith.muli %and3A_249, %parallel_loop3A_459 : i32
        %parallel_loop3A_461 = arith.addi %parallel_loop3A_460, %parallel_loop3A_276 : i32
        %parallel_loop3A_462 = arith.index_cast %parallel_loop3A_461 : i32 to index
        %parallel_loop3A_463 = arith.constant 224 : index
        %parallel_loop3A_464 = tpu.vector_load %arg7[%parallel_loop3A_462, %parallel_loop3A_463] {strides = array<i32>} : memref<64x768xf32, #tpu.memory_space<vmem>>, vector<1x16xf32>,
        %parallel_loop3A_465 = vector.shape_cast %parallel_loop3A_464 : vector<1x16xf32> to vector<16xf32>
        %parallel_loop3A_466 = arith.index_cast %and3A_247 : i32 to index
        %parallel_loop3A_467 = arith.index_cast %parallel_loop3A_276 : i32 to index
        %parallel_loop3A_468 = arith.constant 224 : index
        %parallel_loop3A_469 = tpu.vector_load %arg8[%parallel_loop3A_466, %parallel_loop3A_467, %parallel_loop3A_468] {strides = array<i32>} : memref<4x16x768xf32, #tpu.memory_space<vmem>>, vector<1x1x16xf32>,
        %parallel_loop3A_470 = vector.shape_cast %parallel_loop3A_469 : vector<1x1x16xf32> to vector<16xf32>
        %parallel_loop3A_471 = vector.shape_cast %parallel_loop3A_465 : vector<16xf32> to vector<1x1x16xf32>
        tpu.vector_store %arg8[%parallel_loop3A_466, %parallel_loop3A_467, %parallel_loop3A_468], %parallel_loop3A_471 {add = true, strides = array<i32>} : memref<4x16x768xf32, #tpu.memory_space<vmem>>, vector<1x1x16xf32>,
        %parallel_loop3A_472 = arith.constant 16 : i32
        %parallel_loop3A_473 = arith.muli %and3A_249, %parallel_loop3A_472 : i32
        %parallel_loop3A_474 = arith.addi %parallel_loop3A_473, %parallel_loop3A_276 : i32
        %parallel_loop3A_475 = arith.index_cast %parallel_loop3A_474 : i32 to index
        %parallel_loop3A_476 = arith.constant 240 : index
        %parallel_loop3A_477 = tpu.vector_load %arg7[%parallel_loop3A_475, %parallel_loop3A_476] {strides = array<i32>} : memref<64x768xf32, #tpu.memory_space<vmem>>, vector<1x16xf32>,
        %parallel_loop3A_478 = vector.shape_cast %parallel_loop3A_477 : vector<1x16xf32> to vector<16xf32>
        %parallel_loop3A_479 = arith.index_cast %and3A_247 : i32 to index
        %parallel_loop3A_480 = arith.index_cast %parallel_loop3A_276 : i32 to index
        %parallel_loop3A_481 = arith.constant 240 : index
        %parallel_loop3A_482 = tpu.vector_load %arg8[%parallel_loop3A_479, %parallel_loop3A_480, %parallel_loop3A_481] {strides = array<i32>} : memref<4x16x768xf32, #tpu.memory_space<vmem>>, vector<1x1x16xf32>,
        %parallel_loop3A_483 = vector.shape_cast %parallel_loop3A_482 : vector<1x1x16xf32> to vector<16xf32>
        %parallel_loop3A_484 = vector.shape_cast %parallel_loop3A_478 : vector<16xf32> to vector<1x1x16xf32>
        tpu.vector_store %arg8[%parallel_loop3A_479, %parallel_loop3A_480, %parallel_loop3A_481], %parallel_loop3A_484 {add = true, strides = array<i32>} : memref<4x16x768xf32, #tpu.memory_space<vmem>>, vector<1x1x16xf32>,
        %parallel_loop3A_485 = arith.constant 16 : i32
        %parallel_loop3A_486 = arith.muli %and3A_249, %parallel_loop3A_485 : i32
        %parallel_loop3A_487 = arith.addi %parallel_loop3A_486, %parallel_loop3A_276 : i32
        %parallel_loop3A_488 = arith.index_cast %parallel_loop3A_487 : i32 to index
        %parallel_loop3A_489 = arith.constant 256 : index
        %parallel_loop3A_490 = tpu.vector_load %arg7[%parallel_loop3A_488, %parallel_loop3A_489] {strides = array<i32>} : memref<64x768xf32, #tpu.memory_space<vmem>>, vector<1x16xf32>,
        %parallel_loop3A_491 = vector.shape_cast %parallel_loop3A_490 : vector<1x16xf32> to vector<16xf32>
        %parallel_loop3A_492 = arith.index_cast %and3A_247 : i32 to index
        %parallel_loop3A_493 = arith.index_cast %parallel_loop3A_276 : i32 to index
        %parallel_loop3A_494 = arith.constant 256 : index
        %parallel_loop3A_495 = tpu.vector_load %arg8[%parallel_loop3A_492, %parallel_loop3A_493, %parallel_loop3A_494] {strides = array<i32>} : memref<4x16x768xf32, #tpu.memory_space<vmem>>, vector<1x1x16xf32>,
        %parallel_loop3A_496 = vector.shape_cast %parallel_loop3A_495 : vector<1x1x16xf32> to vector<16xf32>
        %parallel_loop3A_497 = vector.shape_cast %parallel_loop3A_491 : vector<16xf32> to vector<1x1x16xf32>
        tpu.vector_store %arg8[%parallel_loop3A_492, %parallel_loop3A_493, %parallel_loop3A_494], %parallel_loop3A_497 {add = true, strides = array<i32>} : memref<4x16x768xf32, #tpu.memory_space<vmem>>, vector<1x1x16xf32>,
        %parallel_loop3A_498 = arith.constant 16 : i32
        %parallel_loop3A_499 = arith.muli %and3A_249, %parallel_loop3A_498 : i32
        %parallel_loop3A_500 = arith.addi %parallel_loop3A_499, %parallel_loop3A_276 : i32
        %parallel_loop3A_501 = arith.index_cast %parallel_loop3A_500 : i32 to index
        %parallel_loop3A_502 = arith.constant 272 : index
        %parallel_loop3A_503 = tpu.vector_load %arg7[%parallel_loop3A_501, %parallel_loop3A_502] {strides = array<i32>} : memref<64x768xf32, #tpu.memory_space<vmem>>, vector<1x16xf32>,
        %parallel_loop3A_504 = vector.shape_cast %parallel_loop3A_503 : vector<1x16xf32> to vector<16xf32>
        %parallel_loop3A_505 = arith.index_cast %and3A_247 : i32 to index
        %parallel_loop3A_506 = arith.index_cast %parallel_loop3A_276 : i32 to index
        %parallel_loop3A_507 = arith.constant 272 : index
        %parallel_loop3A_508 = tpu.vector_load %arg8[%parallel_loop3A_505, %parallel_loop3A_506, %parallel_loop3A_507] {strides = array<i32>} : memref<4x16x768xf32, #tpu.memory_space<vmem>>, vector<1x1x16xf32>,
        %parallel_loop3A_509 = vector.shape_cast %parallel_loop3A_508 : vector<1x1x16xf32> to vector<16xf32>
        %parallel_loop3A_510 = vector.shape_cast %parallel_loop3A_504 : vector<16xf32> to vector<1x1x16xf32>
        tpu.vector_store %arg8[%parallel_loop3A_505, %parallel_loop3A_506, %parallel_loop3A_507], %parallel_loop3A_510 {add = true, strides = array<i32>} : memref<4x16x768xf32, #tpu.memory_space<vmem>>, vector<1x1x16xf32>,
        %parallel_loop3A_511 = arith.constant 16 : i32
        %parallel_loop3A_512 = arith.muli %and3A_249, %parallel_loop3A_511 : i32
        %parallel_loop3A_513 = arith.addi %parallel_loop3A_512, %parallel_loop3A_276 : i32
        %parallel_loop3A_514 = arith.index_cast %parallel_loop3A_513 : i32 to index
        %parallel_loop3A_515 = arith.constant 288 : index
        %parallel_loop3A_516 = tpu.vector_load %arg7[%parallel_loop3A_514, %parallel_loop3A_515] {strides = array<i32>} : memref<64x768xf32, #tpu.memory_space<vmem>>, vector<1x16xf32>,
        %parallel_loop3A_517 = vector.shape_cast %parallel_loop3A_516 : vector<1x16xf32> to vector<16xf32>
        %parallel_loop3A_518 = arith.index_cast %and3A_247 : i32 to index
        %parallel_loop3A_519 = arith.index_cast %parallel_loop3A_276 : i32 to index
        %parallel_loop3A_520 = arith.constant 288 : index
        %parallel_loop3A_521 = tpu.vector_load %arg8[%parallel_loop3A_518, %parallel_loop3A_519, %parallel_loop3A_520] {strides = array<i32>} : memref<4x16x768xf32, #tpu.memory_space<vmem>>, vector<1x1x16xf32>,
        %parallel_loop3A_522 = vector.shape_cast %parallel_loop3A_521 : vector<1x1x16xf32> to vector<16xf32>
        %parallel_loop3A_523 = vector.shape_cast %parallel_loop3A_517 : vector<16xf32> to vector<1x1x16xf32>
        tpu.vector_store %arg8[%parallel_loop3A_518, %parallel_loop3A_519, %parallel_loop3A_520], %parallel_loop3A_523 {add = true, strides = array<i32>} : memref<4x16x768xf32, #tpu.memory_space<vmem>>, vector<1x1x16xf32>,
        %parallel_loop3A_524 = arith.constant 16 : i32
        %parallel_loop3A_525 = arith.muli %and3A_249, %parallel_loop3A_524 : i32
        %parallel_loop3A_526 = arith.addi %parallel_loop3A_525, %parallel_loop3A_276 : i32
        %parallel_loop3A_527 = arith.index_cast %parallel_loop3A_526 : i32 to index
        %parallel_loop3A_528 = arith.constant 304 : index
        %parallel_loop3A_529 = tpu.vector_load %arg7[%parallel_loop3A_527, %parallel_loop3A_528] {strides = array<i32>} : memref<64x768xf32, #tpu.memory_space<vmem>>, vector<1x16xf32>,
        %parallel_loop3A_530 = vector.shape_cast %parallel_loop3A_529 : vector<1x16xf32> to vector<16xf32>
        %parallel_loop3A_531 = arith.index_cast %and3A_247 : i32 to index
        %parallel_loop3A_532 = arith.index_cast %parallel_loop3A_276 : i32 to index
        %parallel_loop3A_533 = arith.constant 304 : index
        %parallel_loop3A_534 = tpu.vector_load %arg8[%parallel_loop3A_531, %parallel_loop3A_532, %parallel_loop3A_533] {strides = array<i32>} : memref<4x16x768xf32, #tpu.memory_space<vmem>>, vector<1x1x16xf32>,
        %parallel_loop3A_535 = vector.shape_cast %parallel_loop3A_534 : vector<1x1x16xf32> to vector<16xf32>
        %parallel_loop3A_536 = vector.shape_cast %parallel_loop3A_530 : vector<16xf32> to vector<1x1x16xf32>
        tpu.vector_store %arg8[%parallel_loop3A_531, %parallel_loop3A_532, %parallel_loop3A_533], %parallel_loop3A_536 {add = true, strides = array<i32>} : memref<4x16x768xf32, #tpu.memory_space<vmem>>, vector<1x1x16xf32>,
        %parallel_loop3A_537 = arith.constant 16 : i32
        %parallel_loop3A_538 = arith.muli %and3A_249, %parallel_loop3A_537 : i32
        %parallel_loop3A_539 = arith.addi %parallel_loop3A_538, %parallel_loop3A_276 : i32
        %parallel_loop3A_540 = arith.index_cast %parallel_loop3A_539 : i32 to index
        %parallel_loop3A_541 = arith.constant 320 : index
        %parallel_loop3A_542 = tpu.vector_load %arg7[%parallel_loop3A_540, %parallel_loop3A_541] {strides = array<i32>} : memref<64x768xf32, #tpu.memory_space<vmem>>, vector<1x16xf32>,
        %parallel_loop3A_543 = vector.shape_cast %parallel_loop3A_542 : vector<1x16xf32> to vector<16xf32>
        %parallel_loop3A_544 = arith.index_cast %and3A_247 : i32 to index
        %parallel_loop3A_545 = arith.index_cast %parallel_loop3A_276 : i32 to index
        %parallel_loop3A_546 = arith.constant 320 : index
        %parallel_loop3A_547 = tpu.vector_load %arg8[%parallel_loop3A_544, %parallel_loop3A_545, %parallel_loop3A_546] {strides = array<i32>} : memref<4x16x768xf32, #tpu.memory_space<vmem>>, vector<1x1x16xf32>,
        %parallel_loop3A_548 = vector.shape_cast %parallel_loop3A_547 : vector<1x1x16xf32> to vector<16xf32>
        %parallel_loop3A_549 = vector.shape_cast %parallel_loop3A_543 : vector<16xf32> to vector<1x1x16xf32>
        tpu.vector_store %arg8[%parallel_loop3A_544, %parallel_loop3A_545, %parallel_loop3A_546], %parallel_loop3A_549 {add = true, strides = array<i32>} : memref<4x16x768xf32, #tpu.memory_space<vmem>>, vector<1x1x16xf32>,
        %parallel_loop3A_550 = arith.constant 16 : i32
        %parallel_loop3A_551 = arith.muli %and3A_249, %parallel_loop3A_550 : i32
        %parallel_loop3A_552 = arith.addi %parallel_loop3A_551, %parallel_loop3A_276 : i32
        %parallel_loop3A_553 = arith.index_cast %parallel_loop3A_552 : i32 to index
        %parallel_loop3A_554 = arith.constant 336 : index
        %parallel_loop3A_555 = tpu.vector_load %arg7[%parallel_loop3A_553, %parallel_loop3A_554] {strides = array<i32>} : memref<64x768xf32, #tpu.memory_space<vmem>>, vector<1x16xf32>,
        %parallel_loop3A_556 = vector.shape_cast %parallel_loop3A_555 : vector<1x16xf32> to vector<16xf32>
        %parallel_loop3A_557 = arith.index_cast %and3A_247 : i32 to index
        %parallel_loop3A_558 = arith.index_cast %parallel_loop3A_276 : i32 to index
        %parallel_loop3A_559 = arith.constant 336 : index
        %parallel_loop3A_560 = tpu.vector_load %arg8[%parallel_loop3A_557, %parallel_loop3A_558, %parallel_loop3A_559] {strides = array<i32>} : memref<4x16x768xf32, #tpu.memory_space<vmem>>, vector<1x1x16xf32>,
        %parallel_loop3A_561 = vector.shape_cast %parallel_loop3A_560 : vector<1x1x16xf32> to vector<16xf32>
        %parallel_loop3A_562 = vector.shape_cast %parallel_loop3A_556 : vector<16xf32> to vector<1x1x16xf32>
        tpu.vector_store %arg8[%parallel_loop3A_557, %parallel_loop3A_558, %parallel_loop3A_559], %parallel_loop3A_562 {add = true, strides = array<i32>} : memref<4x16x768xf32, #tpu.memory_space<vmem>>, vector<1x1x16xf32>,
        %parallel_loop3A_563 = arith.constant 16 : i32
        %parallel_loop3A_564 = arith.muli %and3A_249, %parallel_loop3A_563 : i32
        %parallel_loop3A_565 = arith.addi %parallel_loop3A_564, %parallel_loop3A_276 : i32
        %parallel_loop3A_566 = arith.index_cast %parallel_loop3A_565 : i32 to index
        %parallel_loop3A_567 = arith.constant 352 : index
        %parallel_loop3A_568 = tpu.vector_load %arg7[%parallel_loop3A_566, %parallel_loop3A_567] {strides = array<i32>} : memref<64x768xf32, #tpu.memory_space<vmem>>, vector<1x16xf32>,
        %parallel_loop3A_569 = vector.shape_cast %parallel_loop3A_568 : vector<1x16xf32> to vector<16xf32>
        %parallel_loop3A_570 = arith.index_cast %and3A_247 : i32 to index
        %parallel_loop3A_571 = arith.index_cast %parallel_loop3A_276 : i32 to index
        %parallel_loop3A_572 = arith.constant 352 : index
        %parallel_loop3A_573 = tpu.vector_load %arg8[%parallel_loop3A_570, %parallel_loop3A_571, %parallel_loop3A_572] {strides = array<i32>} : memref<4x16x768xf32, #tpu.memory_space<vmem>>, vector<1x1x16xf32>,
        %parallel_loop3A_574 = vector.shape_cast %parallel_loop3A_573 : vector<1x1x16xf32> to vector<16xf32>
        %parallel_loop3A_575 = vector.shape_cast %parallel_loop3A_569 : vector<16xf32> to vector<1x1x16xf32>
        tpu.vector_store %arg8[%parallel_loop3A_570, %parallel_loop3A_571, %parallel_loop3A_572], %parallel_loop3A_575 {add = true, strides = array<i32>} : memref<4x16x768xf32, #tpu.memory_space<vmem>>, vector<1x1x16xf32>,
        %parallel_loop3A_576 = arith.constant 16 : i32
        %parallel_loop3A_577 = arith.muli %and3A_249, %parallel_loop3A_576 : i32
        %parallel_loop3A_578 = arith.addi %parallel_loop3A_577, %parallel_loop3A_276 : i32
        %parallel_loop3A_579 = arith.index_cast %parallel_loop3A_578 : i32 to index
        %parallel_loop3A_580 = arith.constant 368 : index
        %parallel_loop3A_581 = tpu.vector_load %arg7[%parallel_loop3A_579, %parallel_loop3A_580] {strides = array<i32>} : memref<64x768xf32, #tpu.memory_space<vmem>>, vector<1x16xf32>,
        %parallel_loop3A_582 = vector.shape_cast %parallel_loop3A_581 : vector<1x16xf32> to vector<16xf32>
        %parallel_loop3A_583 = arith.index_cast %and3A_247 : i32 to index
        %parallel_loop3A_584 = arith.index_cast %parallel_loop3A_276 : i32 to index
        %parallel_loop3A_585 = arith.constant 368 : index
        %parallel_loop3A_586 = tpu.vector_load %arg8[%parallel_loop3A_583, %parallel_loop3A_584, %parallel_loop3A_585] {strides = array<i32>} : memref<4x16x768xf32, #tpu.memory_space<vmem>>, vector<1x1x16xf32>,
        %parallel_loop3A_587 = vector.shape_cast %parallel_loop3A_586 : vector<1x1x16xf32> to vector<16xf32>
        %parallel_loop3A_588 = vector.shape_cast %parallel_loop3A_582 : vector<16xf32> to vector<1x1x16xf32>
        tpu.vector_store %arg8[%parallel_loop3A_583, %parallel_loop3A_584, %parallel_loop3A_585], %parallel_loop3A_588 {add = true, strides = array<i32>} : memref<4x16x768xf32, #tpu.memory_space<vmem>>, vector<1x1x16xf32>,
        %parallel_loop3A_589 = arith.constant 16 : i32
        %parallel_loop3A_590 = arith.muli %and3A_249, %parallel_loop3A_589 : i32
        %parallel_loop3A_591 = arith.addi %parallel_loop3A_590, %parallel_loop3A_276 : i32
        %parallel_loop3A_592 = arith.index_cast %parallel_loop3A_591 : i32 to index
        %parallel_loop3A_593 = arith.constant 384 : index
        %parallel_loop3A_594 = tpu.vector_load %arg7[%parallel_loop3A_592, %parallel_loop3A_593] {strides = array<i32>} : memref<64x768xf32, #tpu.memory_space<vmem>>, vector<1x16xf32>,
        %parallel_loop3A_595 = vector.shape_cast %parallel_loop3A_594 : vector<1x16xf32> to vector<16xf32>
        %parallel_loop3A_596 = arith.index_cast %and3A_247 : i32 to index
        %parallel_loop3A_597 = arith.index_cast %parallel_loop3A_276 : i32 to index
        %parallel_loop3A_598 = arith.constant 384 : index
        %parallel_loop3A_599 = tpu.vector_load %arg8[%parallel_loop3A_596, %parallel_loop3A_597, %parallel_loop3A_598] {strides = array<i32>} : memref<4x16x768xf32, #tpu.memory_space<vmem>>, vector<1x1x16xf32>,
        %parallel_loop3A_600 = vector.shape_cast %parallel_loop3A_599 : vector<1x1x16xf32> to vector<16xf32>
        %parallel_loop3A_601 = vector.shape_cast %parallel_loop3A_595 : vector<16xf32> to vector<1x1x16xf32>
        tpu.vector_store %arg8[%parallel_loop3A_596, %parallel_loop3A_597, %parallel_loop3A_598], %parallel_loop3A_601 {add = true, strides = array<i32>} : memref<4x16x768xf32, #tpu.memory_space<vmem>>, vector<1x1x16xf32>,
        %parallel_loop3A_602 = arith.constant 16 : i32
        %parallel_loop3A_603 = arith.muli %and3A_249, %parallel_loop3A_602 : i32
        %parallel_loop3A_604 = arith.addi %parallel_loop3A_603, %parallel_loop3A_276 : i32
        %parallel_loop3A_605 = arith.index_cast %parallel_loop3A_604 : i32 to index
        %parallel_loop3A_606 = arith.constant 400 : index
        %parallel_loop3A_607 = tpu.vector_load %arg7[%parallel_loop3A_605, %parallel_loop3A_606] {strides = array<i32>} : memref<64x768xf32, #tpu.memory_space<vmem>>, vector<1x16xf32>,
        %parallel_loop3A_608 = vector.shape_cast %parallel_loop3A_607 : vector<1x16xf32> to vector<16xf32>
        %parallel_loop3A_609 = arith.index_cast %and3A_247 : i32 to index
        %parallel_loop3A_610 = arith.index_cast %parallel_loop3A_276 : i32 to index
        %parallel_loop3A_611 = arith.constant 400 : index
        %parallel_loop3A_612 = tpu.vector_load %arg8[%parallel_loop3A_609, %parallel_loop3A_610, %parallel_loop3A_611] {strides = array<i32>} : memref<4x16x768xf32, #tpu.memory_space<vmem>>, vector<1x1x16xf32>,
        %parallel_loop3A_613 = vector.shape_cast %parallel_loop3A_612 : vector<1x1x16xf32> to vector<16xf32>
        %parallel_loop3A_614 = vector.shape_cast %parallel_loop3A_608 : vector<16xf32> to vector<1x1x16xf32>
        tpu.vector_store %arg8[%parallel_loop3A_609, %parallel_loop3A_610, %parallel_loop3A_611], %parallel_loop3A_614 {add = true, strides = array<i32>} : memref<4x16x768xf32, #tpu.memory_space<vmem>>, vector<1x1x16xf32>,
        %parallel_loop3A_615 = arith.constant 16 : i32
        %parallel_loop3A_616 = arith.muli %and3A_249, %parallel_loop3A_615 : i32
        %parallel_loop3A_617 = arith.addi %parallel_loop3A_616, %parallel_loop3A_276 : i32
        %parallel_loop3A_618 = arith.index_cast %parallel_loop3A_617 : i32 to index
        %parallel_loop3A_619 = arith.constant 416 : index
        %parallel_loop3A_620 = tpu.vector_load %arg7[%parallel_loop3A_618, %parallel_loop3A_619] {strides = array<i32>} : memref<64x768xf32, #tpu.memory_space<vmem>>, vector<1x16xf32>,
        %parallel_loop3A_621 = vector.shape_cast %parallel_loop3A_620 : vector<1x16xf32> to vector<16xf32>
        %parallel_loop3A_622 = arith.index_cast %and3A_247 : i32 to index
        %parallel_loop3A_623 = arith.index_cast %parallel_loop3A_276 : i32 to index
        %parallel_loop3A_624 = arith.constant 416 : index
        %parallel_loop3A_625 = tpu.vector_load %arg8[%parallel_loop3A_622, %parallel_loop3A_623, %parallel_loop3A_624] {strides = array<i32>} : memref<4x16x768xf32, #tpu.memory_space<vmem>>, vector<1x1x16xf32>,
        %parallel_loop3A_626 = vector.shape_cast %parallel_loop3A_625 : vector<1x1x16xf32> to vector<16xf32>
        %parallel_loop3A_627 = vector.shape_cast %parallel_loop3A_621 : vector<16xf32> to vector<1x1x16xf32>
        tpu.vector_store %arg8[%parallel_loop3A_622, %parallel_loop3A_623, %parallel_loop3A_624], %parallel_loop3A_627 {add = true, strides = array<i32>} : memref<4x16x768xf32, #tpu.memory_space<vmem>>, vector<1x1x16xf32>,
        %parallel_loop3A_628 = arith.constant 16 : i32
        %parallel_loop3A_629 = arith.muli %and3A_249, %parallel_loop3A_628 : i32
        %parallel_loop3A_630 = arith.addi %parallel_loop3A_629, %parallel_loop3A_276 : i32
        %parallel_loop3A_631 = arith.index_cast %parallel_loop3A_630 : i32 to index
        %parallel_loop3A_632 = arith.constant 432 : index
        %parallel_loop3A_633 = tpu.vector_load %arg7[%parallel_loop3A_631, %parallel_loop3A_632] {strides = array<i32>} : memref<64x768xf32, #tpu.memory_space<vmem>>, vector<1x16xf32>,
        %parallel_loop3A_634 = vector.shape_cast %parallel_loop3A_633 : vector<1x16xf32> to vector<16xf32>
        %parallel_loop3A_635 = arith.index_cast %and3A_247 : i32 to index
        %parallel_loop3A_636 = arith.index_cast %parallel_loop3A_276 : i32 to index
        %parallel_loop3A_637 = arith.constant 432 : index
        %parallel_loop3A_638 = tpu.vector_load %arg8[%parallel_loop3A_635, %parallel_loop3A_636, %parallel_loop3A_637] {strides = array<i32>} : memref<4x16x768xf32, #tpu.memory_space<vmem>>, vector<1x1x16xf32>,
        %parallel_loop3A_639 = vector.shape_cast %parallel_loop3A_638 : vector<1x1x16xf32> to vector<16xf32>
        %parallel_loop3A_640 = vector.shape_cast %parallel_loop3A_634 : vector<16xf32> to vector<1x1x16xf32>
        tpu.vector_store %arg8[%parallel_loop3A_635, %parallel_loop3A_636, %parallel_loop3A_637], %parallel_loop3A_640 {add = true, strides = array<i32>} : memref<4x16x768xf32, #tpu.memory_space<vmem>>, vector<1x1x16xf32>,
        %parallel_loop3A_641 = arith.constant 16 : i32
        %parallel_loop3A_642 = arith.muli %and3A_249, %parallel_loop3A_641 : i32
        %parallel_loop3A_643 = arith.addi %parallel_loop3A_642, %parallel_loop3A_276 : i32
        %parallel_loop3A_644 = arith.index_cast %parallel_loop3A_643 : i32 to index
        %parallel_loop3A_645 = arith.constant 448 : index
        %parallel_loop3A_646 = tpu.vector_load %arg7[%parallel_loop3A_644, %parallel_loop3A_645] {strides = array<i32>} : memref<64x768xf32, #tpu.memory_space<vmem>>, vector<1x16xf32>,
        %parallel_loop3A_647 = vector.shape_cast %parallel_loop3A_646 : vector<1x16xf32> to vector<16xf32>
        %parallel_loop3A_648 = arith.index_cast %and3A_247 : i32 to index
        %parallel_loop3A_649 = arith.index_cast %parallel_loop3A_276 : i32 to index
        %parallel_loop3A_650 = arith.constant 448 : index
        %parallel_loop3A_651 = tpu.vector_load %arg8[%parallel_loop3A_648, %parallel_loop3A_649, %parallel_loop3A_650] {strides = array<i32>} : memref<4x16x768xf32, #tpu.memory_space<vmem>>, vector<1x1x16xf32>,
        %parallel_loop3A_652 = vector.shape_cast %parallel_loop3A_651 : vector<1x1x16xf32> to vector<16xf32>
        %parallel_loop3A_653 = vector.shape_cast %parallel_loop3A_647 : vector<16xf32> to vector<1x1x16xf32>
        tpu.vector_store %arg8[%parallel_loop3A_648, %parallel_loop3A_649, %parallel_loop3A_650], %parallel_loop3A_653 {add = true, strides = array<i32>} : memref<4x16x768xf32, #tpu.memory_space<vmem>>, vector<1x1x16xf32>,
        %parallel_loop3A_654 = arith.constant 16 : i32
        %parallel_loop3A_655 = arith.muli %and3A_249, %parallel_loop3A_654 : i32
        %parallel_loop3A_656 = arith.addi %parallel_loop3A_655, %parallel_loop3A_276 : i32
        %parallel_loop3A_657 = arith.index_cast %parallel_loop3A_656 : i32 to index
        %parallel_loop3A_658 = arith.constant 464 : index
        %parallel_loop3A_659 = tpu.vector_load %arg7[%parallel_loop3A_657, %parallel_loop3A_658] {strides = array<i32>} : memref<64x768xf32, #tpu.memory_space<vmem>>, vector<1x16xf32>,
        %parallel_loop3A_660 = vector.shape_cast %parallel_loop3A_659 : vector<1x16xf32> to vector<16xf32>
        %parallel_loop3A_661 = arith.index_cast %and3A_247 : i32 to index
        %parallel_loop3A_662 = arith.index_cast %parallel_loop3A_276 : i32 to index
        %parallel_loop3A_663 = arith.constant 464 : index
        %parallel_loop3A_664 = tpu.vector_load %arg8[%parallel_loop3A_661, %parallel_loop3A_662, %parallel_loop3A_663] {strides = array<i32>} : memref<4x16x768xf32, #tpu.memory_space<vmem>>, vector<1x1x16xf32>,
        %parallel_loop3A_665 = vector.shape_cast %parallel_loop3A_664 : vector<1x1x16xf32> to vector<16xf32>
        %parallel_loop3A_666 = vector.shape_cast %parallel_loop3A_660 : vector<16xf32> to vector<1x1x16xf32>
        tpu.vector_store %arg8[%parallel_loop3A_661, %parallel_loop3A_662, %parallel_loop3A_663], %parallel_loop3A_666 {add = true, strides = array<i32>} : memref<4x16x768xf32, #tpu.memory_space<vmem>>, vector<1x1x16xf32>,
        %parallel_loop3A_667 = arith.constant 16 : i32
        %parallel_loop3A_668 = arith.muli %and3A_249, %parallel_loop3A_667 : i32
        %parallel_loop3A_669 = arith.addi %parallel_loop3A_668, %parallel_loop3A_276 : i32
        %parallel_loop3A_670 = arith.index_cast %parallel_loop3A_669 : i32 to index
        %parallel_loop3A_671 = arith.constant 480 : index
        %parallel_loop3A_672 = tpu.vector_load %arg7[%parallel_loop3A_670, %parallel_loop3A_671] {strides = array<i32>} : memref<64x768xf32, #tpu.memory_space<vmem>>, vector<1x16xf32>,
        %parallel_loop3A_673 = vector.shape_cast %parallel_loop3A_672 : vector<1x16xf32> to vector<16xf32>
        %parallel_loop3A_674 = arith.index_cast %and3A_247 : i32 to index
        %parallel_loop3A_675 = arith.index_cast %parallel_loop3A_276 : i32 to index
        %parallel_loop3A_676 = arith.constant 480 : index
        %parallel_loop3A_677 = tpu.vector_load %arg8[%parallel_loop3A_674, %parallel_loop3A_675, %parallel_loop3A_676] {strides = array<i32>} : memref<4x16x768xf32, #tpu.memory_space<vmem>>, vector<1x1x16xf32>,
        %parallel_loop3A_678 = vector.shape_cast %parallel_loop3A_677 : vector<1x1x16xf32> to vector<16xf32>
        %parallel_loop3A_679 = vector.shape_cast %parallel_loop3A_673 : vector<16xf32> to vector<1x1x16xf32>
        tpu.vector_store %arg8[%parallel_loop3A_674, %parallel_loop3A_675, %parallel_loop3A_676], %parallel_loop3A_679 {add = true, strides = array<i32>} : memref<4x16x768xf32, #tpu.memory_space<vmem>>, vector<1x1x16xf32>,
        %parallel_loop3A_680 = arith.constant 16 : i32
        %parallel_loop3A_681 = arith.muli %and3A_249, %parallel_loop3A_680 : i32
        %parallel_loop3A_682 = arith.addi %parallel_loop3A_681, %parallel_loop3A_276 : i32
        %parallel_loop3A_683 = arith.index_cast %parallel_loop3A_682 : i32 to index
        %parallel_loop3A_684 = arith.constant 496 : index
        %parallel_loop3A_685 = tpu.vector_load %arg7[%parallel_loop3A_683, %parallel_loop3A_684] {strides = array<i32>} : memref<64x768xf32, #tpu.memory_space<vmem>>, vector<1x16xf32>,
        %parallel_loop3A_686 = vector.shape_cast %parallel_loop3A_685 : vector<1x16xf32> to vector<16xf32>
        %parallel_loop3A_687 = arith.index_cast %and3A_247 : i32 to index
        %parallel_loop3A_688 = arith.index_cast %parallel_loop3A_276 : i32 to index
        %parallel_loop3A_689 = arith.constant 496 : index
        %parallel_loop3A_690 = tpu.vector_load %arg8[%parallel_loop3A_687, %parallel_loop3A_688, %parallel_loop3A_689] {strides = array<i32>} : memref<4x16x768xf32, #tpu.memory_space<vmem>>, vector<1x1x16xf32>,
        %parallel_loop3A_691 = vector.shape_cast %parallel_loop3A_690 : vector<1x1x16xf32> to vector<16xf32>
        %parallel_loop3A_692 = vector.shape_cast %parallel_loop3A_686 : vector<16xf32> to vector<1x1x16xf32>
        tpu.vector_store %arg8[%parallel_loop3A_687, %parallel_loop3A_688, %parallel_loop3A_689], %parallel_loop3A_692 {add = true, strides = array<i32>} : memref<4x16x768xf32, #tpu.memory_space<vmem>>, vector<1x1x16xf32>,
        %parallel_loop3A_693 = arith.constant 16 : i32
        %parallel_loop3A_694 = arith.muli %and3A_249, %parallel_loop3A_693 : i32
        %parallel_loop3A_695 = arith.addi %parallel_loop3A_694, %parallel_loop3A_276 : i32
        %parallel_loop3A_696 = arith.index_cast %parallel_loop3A_695 : i32 to index
        %parallel_loop3A_697 = arith.constant 512 : index
        %parallel_loop3A_698 = tpu.vector_load %arg7[%parallel_loop3A_696, %parallel_loop3A_697] {strides = array<i32>} : memref<64x768xf32, #tpu.memory_space<vmem>>, vector<1x16xf32>,
        %parallel_loop3A_699 = vector.shape_cast %parallel_loop3A_698 : vector<1x16xf32> to vector<16xf32>
        %parallel_loop3A_700 = arith.index_cast %and3A_247 : i32 to index
        %parallel_loop3A_701 = arith.index_cast %parallel_loop3A_276 : i32 to index
        %parallel_loop3A_702 = arith.constant 512 : index
        %parallel_loop3A_703 = tpu.vector_load %arg8[%parallel_loop3A_700, %parallel_loop3A_701, %parallel_loop3A_702] {strides = array<i32>} : memref<4x16x768xf32, #tpu.memory_space<vmem>>, vector<1x1x16xf32>,
        %parallel_loop3A_704 = vector.shape_cast %parallel_loop3A_703 : vector<1x1x16xf32> to vector<16xf32>
        %parallel_loop3A_705 = vector.shape_cast %parallel_loop3A_699 : vector<16xf32> to vector<1x1x16xf32>
        tpu.vector_store %arg8[%parallel_loop3A_700, %parallel_loop3A_701, %parallel_loop3A_702], %parallel_loop3A_705 {add = true, strides = array<i32>} : memref<4x16x768xf32, #tpu.memory_space<vmem>>, vector<1x1x16xf32>,
        %parallel_loop3A_706 = arith.constant 16 : i32
        %parallel_loop3A_707 = arith.muli %and3A_249, %parallel_loop3A_706 : i32
        %parallel_loop3A_708 = arith.addi %parallel_loop3A_707, %parallel_loop3A_276 : i32
        %parallel_loop3A_709 = arith.index_cast %parallel_loop3A_708 : i32 to index
        %parallel_loop3A_710 = arith.constant 528 : index
        %parallel_loop3A_711 = tpu.vector_load %arg7[%parallel_loop3A_709, %parallel_loop3A_710] {strides = array<i32>} : memref<64x768xf32, #tpu.memory_space<vmem>>, vector<1x16xf32>,
        %parallel_loop3A_712 = vector.shape_cast %parallel_loop3A_711 : vector<1x16xf32> to vector<16xf32>
        %parallel_loop3A_713 = arith.index_cast %and3A_247 : i32 to index
        %parallel_loop3A_714 = arith.index_cast %parallel_loop3A_276 : i32 to index
        %parallel_loop3A_715 = arith.constant 528 : index
        %parallel_loop3A_716 = tpu.vector_load %arg8[%parallel_loop3A_713, %parallel_loop3A_714, %parallel_loop3A_715] {strides = array<i32>} : memref<4x16x768xf32, #tpu.memory_space<vmem>>, vector<1x1x16xf32>,
        %parallel_loop3A_717 = vector.shape_cast %parallel_loop3A_716 : vector<1x1x16xf32> to vector<16xf32>
        %parallel_loop3A_718 = vector.shape_cast %parallel_loop3A_712 : vector<16xf32> to vector<1x1x16xf32>
        tpu.vector_store %arg8[%parallel_loop3A_713, %parallel_loop3A_714, %parallel_loop3A_715], %parallel_loop3A_718 {add = true, strides = array<i32>} : memref<4x16x768xf32, #tpu.memory_space<vmem>>, vector<1x1x16xf32>,
        %parallel_loop3A_719 = arith.constant 16 : i32
        %parallel_loop3A_720 = arith.muli %and3A_249, %parallel_loop3A_719 : i32
        %parallel_loop3A_721 = arith.addi %parallel_loop3A_720, %parallel_loop3A_276 : i32
        %parallel_loop3A_722 = arith.index_cast %parallel_loop3A_721 : i32 to index
        %parallel_loop3A_723 = arith.constant 544 : index
        %parallel_loop3A_724 = tpu.vector_load %arg7[%parallel_loop3A_722, %parallel_loop3A_723] {strides = array<i32>} : memref<64x768xf32, #tpu.memory_space<vmem>>, vector<1x16xf32>,
        %parallel_loop3A_725 = vector.shape_cast %parallel_loop3A_724 : vector<1x16xf32> to vector<16xf32>
        %parallel_loop3A_726 = arith.index_cast %and3A_247 : i32 to index
        %parallel_loop3A_727 = arith.index_cast %parallel_loop3A_276 : i32 to index
        %parallel_loop3A_728 = arith.constant 544 : index
        %parallel_loop3A_729 = tpu.vector_load %arg8[%parallel_loop3A_726, %parallel_loop3A_727, %parallel_loop3A_728] {strides = array<i32>} : memref<4x16x768xf32, #tpu.memory_space<vmem>>, vector<1x1x16xf32>,
        %parallel_loop3A_730 = vector.shape_cast %parallel_loop3A_729 : vector<1x1x16xf32> to vector<16xf32>
        %parallel_loop3A_731 = vector.shape_cast %parallel_loop3A_725 : vector<16xf32> to vector<1x1x16xf32>
        tpu.vector_store %arg8[%parallel_loop3A_726, %parallel_loop3A_727, %parallel_loop3A_728], %parallel_loop3A_731 {add = true, strides = array<i32>} : memref<4x16x768xf32, #tpu.memory_space<vmem>>, vector<1x1x16xf32>,
        %parallel_loop3A_732 = arith.constant 16 : i32
        %parallel_loop3A_733 = arith.muli %and3A_249, %parallel_loop3A_732 : i32
        %parallel_loop3A_734 = arith.addi %parallel_loop3A_733, %parallel_loop3A_276 : i32
        %parallel_loop3A_735 = arith.index_cast %parallel_loop3A_734 : i32 to index
        %parallel_loop3A_736 = arith.constant 560 : index
        %parallel_loop3A_737 = tpu.vector_load %arg7[%parallel_loop3A_735, %parallel_loop3A_736] {strides = array<i32>} : memref<64x768xf32, #tpu.memory_space<vmem>>, vector<1x16xf32>,
        %parallel_loop3A_738 = vector.shape_cast %parallel_loop3A_737 : vector<1x16xf32> to vector<16xf32>
        %parallel_loop3A_739 = arith.index_cast %and3A_247 : i32 to index
        %parallel_loop3A_740 = arith.index_cast %parallel_loop3A_276 : i32 to index
        %parallel_loop3A_741 = arith.constant 560 : index
        %parallel_loop3A_742 = tpu.vector_load %arg8[%parallel_loop3A_739, %parallel_loop3A_740, %parallel_loop3A_741] {strides = array<i32>} : memref<4x16x768xf32, #tpu.memory_space<vmem>>, vector<1x1x16xf32>,
        %parallel_loop3A_743 = vector.shape_cast %parallel_loop3A_742 : vector<1x1x16xf32> to vector<16xf32>
        %parallel_loop3A_744 = vector.shape_cast %parallel_loop3A_738 : vector<16xf32> to vector<1x1x16xf32>
        tpu.vector_store %arg8[%parallel_loop3A_739, %parallel_loop3A_740, %parallel_loop3A_741], %parallel_loop3A_744 {add = true, strides = array<i32>} : memref<4x16x768xf32, #tpu.memory_space<vmem>>, vector<1x1x16xf32>,
        %parallel_loop3A_745 = arith.constant 16 : i32
        %parallel_loop3A_746 = arith.muli %and3A_249, %parallel_loop3A_745 : i32
        %parallel_loop3A_747 = arith.addi %parallel_loop3A_746, %parallel_loop3A_276 : i32
        %parallel_loop3A_748 = arith.index_cast %parallel_loop3A_747 : i32 to index
        %parallel_loop3A_749 = arith.constant 576 : index
        %parallel_loop3A_750 = tpu.vector_load %arg7[%parallel_loop3A_748, %parallel_loop3A_749] {strides = array<i32>} : memref<64x768xf32, #tpu.memory_space<vmem>>, vector<1x16xf32>,
        %parallel_loop3A_751 = vector.shape_cast %parallel_loop3A_750 : vector<1x16xf32> to vector<16xf32>
        %parallel_loop3A_752 = arith.index_cast %and3A_247 : i32 to index
        %parallel_loop3A_753 = arith.index_cast %parallel_loop3A_276 : i32 to index
        %parallel_loop3A_754 = arith.constant 576 : index
        %parallel_loop3A_755 = tpu.vector_load %arg8[%parallel_loop3A_752, %parallel_loop3A_753, %parallel_loop3A_754] {strides = array<i32>} : memref<4x16x768xf32, #tpu.memory_space<vmem>>, vector<1x1x16xf32>,
        %parallel_loop3A_756 = vector.shape_cast %parallel_loop3A_755 : vector<1x1x16xf32> to vector<16xf32>
        %parallel_loop3A_757 = vector.shape_cast %parallel_loop3A_751 : vector<16xf32> to vector<1x1x16xf32>
        tpu.vector_store %arg8[%parallel_loop3A_752, %parallel_loop3A_753, %parallel_loop3A_754], %parallel_loop3A_757 {add = true, strides = array<i32>} : memref<4x16x768xf32, #tpu.memory_space<vmem>>, vector<1x1x16xf32>,
        %parallel_loop3A_758 = arith.constant 16 : i32
        %parallel_loop3A_759 = arith.muli %and3A_249, %parallel_loop3A_758 : i32
        %parallel_loop3A_760 = arith.addi %parallel_loop3A_759, %parallel_loop3A_276 : i32
        %parallel_loop3A_761 = arith.index_cast %parallel_loop3A_760 : i32 to index
        %parallel_loop3A_762 = arith.constant 592 : index
        %parallel_loop3A_763 = tpu.vector_load %arg7[%parallel_loop3A_761, %parallel_loop3A_762] {strides = array<i32>} : memref<64x768xf32, #tpu.memory_space<vmem>>, vector<1x16xf32>,
        %parallel_loop3A_764 = vector.shape_cast %parallel_loop3A_763 : vector<1x16xf32> to vector<16xf32>
        %parallel_loop3A_765 = arith.index_cast %and3A_247 : i32 to index
        %parallel_loop3A_766 = arith.index_cast %parallel_loop3A_276 : i32 to index
        %parallel_loop3A_767 = arith.constant 592 : index
        %parallel_loop3A_768 = tpu.vector_load %arg8[%parallel_loop3A_765, %parallel_loop3A_766, %parallel_loop3A_767] {strides = array<i32>} : memref<4x16x768xf32, #tpu.memory_space<vmem>>, vector<1x1x16xf32>,
        %parallel_loop3A_769 = vector.shape_cast %parallel_loop3A_768 : vector<1x1x16xf32> to vector<16xf32>
        %parallel_loop3A_770 = vector.shape_cast %parallel_loop3A_764 : vector<16xf32> to vector<1x1x16xf32>
        tpu.vector_store %arg8[%parallel_loop3A_765, %parallel_loop3A_766, %parallel_loop3A_767], %parallel_loop3A_770 {add = true, strides = array<i32>} : memref<4x16x768xf32, #tpu.memory_space<vmem>>, vector<1x1x16xf32>,
        %parallel_loop3A_771 = arith.constant 16 : i32
        %parallel_loop3A_772 = arith.muli %and3A_249, %parallel_loop3A_771 : i32
        %parallel_loop3A_773 = arith.addi %parallel_loop3A_772, %parallel_loop3A_276 : i32
        %parallel_loop3A_774 = arith.index_cast %parallel_loop3A_773 : i32 to index
        %parallel_loop3A_775 = arith.constant 608 : index
        %parallel_loop3A_776 = tpu.vector_load %arg7[%parallel_loop3A_774, %parallel_loop3A_775] {strides = array<i32>} : memref<64x768xf32, #tpu.memory_space<vmem>>, vector<1x16xf32>,
        %parallel_loop3A_777 = vector.shape_cast %parallel_loop3A_776 : vector<1x16xf32> to vector<16xf32>
        %parallel_loop3A_778 = arith.index_cast %and3A_247 : i32 to index
        %parallel_loop3A_779 = arith.index_cast %parallel_loop3A_276 : i32 to index
        %parallel_loop3A_780 = arith.constant 608 : index
        %parallel_loop3A_781 = tpu.vector_load %arg8[%parallel_loop3A_778, %parallel_loop3A_779, %parallel_loop3A_780] {strides = array<i32>} : memref<4x16x768xf32, #tpu.memory_space<vmem>>, vector<1x1x16xf32>,
        %parallel_loop3A_782 = vector.shape_cast %parallel_loop3A_781 : vector<1x1x16xf32> to vector<16xf32>
        %parallel_loop3A_783 = vector.shape_cast %parallel_loop3A_777 : vector<16xf32> to vector<1x1x16xf32>
        tpu.vector_store %arg8[%parallel_loop3A_778, %parallel_loop3A_779, %parallel_loop3A_780], %parallel_loop3A_783 {add = true, strides = array<i32>} : memref<4x16x768xf32, #tpu.memory_space<vmem>>, vector<1x1x16xf32>,
        %parallel_loop3A_784 = arith.constant 16 : i32
        %parallel_loop3A_785 = arith.muli %and3A_249, %parallel_loop3A_784 : i32
        %parallel_loop3A_786 = arith.addi %parallel_loop3A_785, %parallel_loop3A_276 : i32
        %parallel_loop3A_787 = arith.index_cast %parallel_loop3A_786 : i32 to index
        %parallel_loop3A_788 = arith.constant 624 : index
        %parallel_loop3A_789 = tpu.vector_load %arg7[%parallel_loop3A_787, %parallel_loop3A_788] {strides = array<i32>} : memref<64x768xf32, #tpu.memory_space<vmem>>, vector<1x16xf32>,
        %parallel_loop3A_790 = vector.shape_cast %parallel_loop3A_789 : vector<1x16xf32> to vector<16xf32>
        %parallel_loop3A_791 = arith.index_cast %and3A_247 : i32 to index
        %parallel_loop3A_792 = arith.index_cast %parallel_loop3A_276 : i32 to index
        %parallel_loop3A_793 = arith.constant 624 : index
        %parallel_loop3A_794 = tpu.vector_load %arg8[%parallel_loop3A_791, %parallel_loop3A_792, %parallel_loop3A_793] {strides = array<i32>} : memref<4x16x768xf32, #tpu.memory_space<vmem>>, vector<1x1x16xf32>,
        %parallel_loop3A_795 = vector.shape_cast %parallel_loop3A_794 : vector<1x1x16xf32> to vector<16xf32>
        %parallel_loop3A_796 = vector.shape_cast %parallel_loop3A_790 : vector<16xf32> to vector<1x1x16xf32>
        tpu.vector_store %arg8[%parallel_loop3A_791, %parallel_loop3A_792, %parallel_loop3A_793], %parallel_loop3A_796 {add = true, strides = array<i32>} : memref<4x16x768xf32, #tpu.memory_space<vmem>>, vector<1x1x16xf32>,
        %parallel_loop3A_797 = arith.constant 16 : i32
        %parallel_loop3A_798 = arith.muli %and3A_249, %parallel_loop3A_797 : i32
        %parallel_loop3A_799 = arith.addi %parallel_loop3A_798, %parallel_loop3A_276 : i32
        %parallel_loop3A_800 = arith.index_cast %parallel_loop3A_799 : i32 to index
        %parallel_loop3A_801 = arith.constant 640 : index
        %parallel_loop3A_802 = tpu.vector_load %arg7[%parallel_loop3A_800, %parallel_loop3A_801] {strides = array<i32>} : memref<64x768xf32, #tpu.memory_space<vmem>>, vector<1x16xf32>,
        %parallel_loop3A_803 = vector.shape_cast %parallel_loop3A_802 : vector<1x16xf32> to vector<16xf32>
        %parallel_loop3A_804 = arith.index_cast %and3A_247 : i32 to index
        %parallel_loop3A_805 = arith.index_cast %parallel_loop3A_276 : i32 to index
        %parallel_loop3A_806 = arith.constant 640 : index
        %parallel_loop3A_807 = tpu.vector_load %arg8[%parallel_loop3A_804, %parallel_loop3A_805, %parallel_loop3A_806] {strides = array<i32>} : memref<4x16x768xf32, #tpu.memory_space<vmem>>, vector<1x1x16xf32>,
        %parallel_loop3A_808 = vector.shape_cast %parallel_loop3A_807 : vector<1x1x16xf32> to vector<16xf32>
        %parallel_loop3A_809 = vector.shape_cast %parallel_loop3A_803 : vector<16xf32> to vector<1x1x16xf32>
        tpu.vector_store %arg8[%parallel_loop3A_804, %parallel_loop3A_805, %parallel_loop3A_806], %parallel_loop3A_809 {add = true, strides = array<i32>} : memref<4x16x768xf32, #tpu.memory_space<vmem>>, vector<1x1x16xf32>,
        %parallel_loop3A_810 = arith.constant 16 : i32
        %parallel_loop3A_811 = arith.muli %and3A_249, %parallel_loop3A_810 : i32
        %parallel_loop3A_812 = arith.addi %parallel_loop3A_811, %parallel_loop3A_276 : i32
        %parallel_loop3A_813 = arith.index_cast %parallel_loop3A_812 : i32 to index
        %parallel_loop3A_814 = arith.constant 656 : index
        %parallel_loop3A_815 = tpu.vector_load %arg7[%parallel_loop3A_813, %parallel_loop3A_814] {strides = array<i32>} : memref<64x768xf32, #tpu.memory_space<vmem>>, vector<1x16xf32>,
        %parallel_loop3A_816 = vector.shape_cast %parallel_loop3A_815 : vector<1x16xf32> to vector<16xf32>
        %parallel_loop3A_817 = arith.index_cast %and3A_247 : i32 to index
        %parallel_loop3A_818 = arith.index_cast %parallel_loop3A_276 : i32 to index
        %parallel_loop3A_819 = arith.constant 656 : index
        %parallel_loop3A_820 = tpu.vector_load %arg8[%parallel_loop3A_817, %parallel_loop3A_818, %parallel_loop3A_819] {strides = array<i32>} : memref<4x16x768xf32, #tpu.memory_space<vmem>>, vector<1x1x16xf32>,
        %parallel_loop3A_821 = vector.shape_cast %parallel_loop3A_820 : vector<1x1x16xf32> to vector<16xf32>
        %parallel_loop3A_822 = vector.shape_cast %parallel_loop3A_816 : vector<16xf32> to vector<1x1x16xf32>
        tpu.vector_store %arg8[%parallel_loop3A_817, %parallel_loop3A_818, %parallel_loop3A_819], %parallel_loop3A_822 {add = true, strides = array<i32>} : memref<4x16x768xf32, #tpu.memory_space<vmem>>, vector<1x1x16xf32>,
        %parallel_loop3A_823 = arith.constant 16 : i32
        %parallel_loop3A_824 = arith.muli %and3A_249, %parallel_loop3A_823 : i32
        %parallel_loop3A_825 = arith.addi %parallel_loop3A_824, %parallel_loop3A_276 : i32
        %parallel_loop3A_826 = arith.index_cast %parallel_loop3A_825 : i32 to index
        %parallel_loop3A_827 = arith.constant 672 : index
        %parallel_loop3A_828 = tpu.vector_load %arg7[%parallel_loop3A_826, %parallel_loop3A_827] {strides = array<i32>} : memref<64x768xf32, #tpu.memory_space<vmem>>, vector<1x16xf32>,
        %parallel_loop3A_829 = vector.shape_cast %parallel_loop3A_828 : vector<1x16xf32> to vector<16xf32>
        %parallel_loop3A_830 = arith.index_cast %and3A_247 : i32 to index
        %parallel_loop3A_831 = arith.index_cast %parallel_loop3A_276 : i32 to index
        %parallel_loop3A_832 = arith.constant 672 : index
        %parallel_loop3A_833 = tpu.vector_load %arg8[%parallel_loop3A_830, %parallel_loop3A_831, %parallel_loop3A_832] {strides = array<i32>} : memref<4x16x768xf32, #tpu.memory_space<vmem>>, vector<1x1x16xf32>,
        %parallel_loop3A_834 = vector.shape_cast %parallel_loop3A_833 : vector<1x1x16xf32> to vector<16xf32>
        %parallel_loop3A_835 = vector.shape_cast %parallel_loop3A_829 : vector<16xf32> to vector<1x1x16xf32>
        tpu.vector_store %arg8[%parallel_loop3A_830, %parallel_loop3A_831, %parallel_loop3A_832], %parallel_loop3A_835 {add = true, strides = array<i32>} : memref<4x16x768xf32, #tpu.memory_space<vmem>>, vector<1x1x16xf32>,
        %parallel_loop3A_836 = arith.constant 16 : i32
        %parallel_loop3A_837 = arith.muli %and3A_249, %parallel_loop3A_836 : i32
        %parallel_loop3A_838 = arith.addi %parallel_loop3A_837, %parallel_loop3A_276 : i32
        %parallel_loop3A_839 = arith.index_cast %parallel_loop3A_838 : i32 to index
        %parallel_loop3A_840 = arith.constant 688 : index
        %parallel_loop3A_841 = tpu.vector_load %arg7[%parallel_loop3A_839, %parallel_loop3A_840] {strides = array<i32>} : memref<64x768xf32, #tpu.memory_space<vmem>>, vector<1x16xf32>,
        %parallel_loop3A_842 = vector.shape_cast %parallel_loop3A_841 : vector<1x16xf32> to vector<16xf32>
        %parallel_loop3A_843 = arith.index_cast %and3A_247 : i32 to index
        %parallel_loop3A_844 = arith.index_cast %parallel_loop3A_276 : i32 to index
        %parallel_loop3A_845 = arith.constant 688 : index
        %parallel_loop3A_846 = tpu.vector_load %arg8[%parallel_loop3A_843, %parallel_loop3A_844, %parallel_loop3A_845] {strides = array<i32>} : memref<4x16x768xf32, #tpu.memory_space<vmem>>, vector<1x1x16xf32>,
        %parallel_loop3A_847 = vector.shape_cast %parallel_loop3A_846 : vector<1x1x16xf32> to vector<16xf32>
        %parallel_loop3A_848 = vector.shape_cast %parallel_loop3A_842 : vector<16xf32> to vector<1x1x16xf32>
        tpu.vector_store %arg8[%parallel_loop3A_843, %parallel_loop3A_844, %parallel_loop3A_845], %parallel_loop3A_848 {add = true, strides = array<i32>} : memref<4x16x768xf32, #tpu.memory_space<vmem>>, vector<1x1x16xf32>,
        %parallel_loop3A_849 = arith.constant 16 : i32
        %parallel_loop3A_850 = arith.muli %and3A_249, %parallel_loop3A_849 : i32
        %parallel_loop3A_851 = arith.addi %parallel_loop3A_850, %parallel_loop3A_276 : i32
        %parallel_loop3A_852 = arith.index_cast %parallel_loop3A_851 : i32 to index
        %parallel_loop3A_853 = arith.constant 704 : index
        %parallel_loop3A_854 = tpu.vector_load %arg7[%parallel_loop3A_852, %parallel_loop3A_853] {strides = array<i32>} : memref<64x768xf32, #tpu.memory_space<vmem>>, vector<1x16xf32>,
        %parallel_loop3A_855 = vector.shape_cast %parallel_loop3A_854 : vector<1x16xf32> to vector<16xf32>
        %parallel_loop3A_856 = arith.index_cast %and3A_247 : i32 to index
        %parallel_loop3A_857 = arith.index_cast %parallel_loop3A_276 : i32 to index
        %parallel_loop3A_858 = arith.constant 704 : index
        %parallel_loop3A_859 = tpu.vector_load %arg8[%parallel_loop3A_856, %parallel_loop3A_857, %parallel_loop3A_858] {strides = array<i32>} : memref<4x16x768xf32, #tpu.memory_space<vmem>>, vector<1x1x16xf32>,
        %parallel_loop3A_860 = vector.shape_cast %parallel_loop3A_859 : vector<1x1x16xf32> to vector<16xf32>
        %parallel_loop3A_861 = vector.shape_cast %parallel_loop3A_855 : vector<16xf32> to vector<1x1x16xf32>
        tpu.vector_store %arg8[%parallel_loop3A_856, %parallel_loop3A_857, %parallel_loop3A_858], %parallel_loop3A_861 {add = true, strides = array<i32>} : memref<4x16x768xf32, #tpu.memory_space<vmem>>, vector<1x1x16xf32>,
        %parallel_loop3A_862 = arith.constant 16 : i32
        %parallel_loop3A_863 = arith.muli %and3A_249, %parallel_loop3A_862 : i32
        %parallel_loop3A_864 = arith.addi %parallel_loop3A_863, %parallel_loop3A_276 : i32
        %parallel_loop3A_865 = arith.index_cast %parallel_loop3A_864 : i32 to index
        %parallel_loop3A_866 = arith.constant 720 : index
        %parallel_loop3A_867 = tpu.vector_load %arg7[%parallel_loop3A_865, %parallel_loop3A_866] {strides = array<i32>} : memref<64x768xf32, #tpu.memory_space<vmem>>, vector<1x16xf32>,
        %parallel_loop3A_868 = vector.shape_cast %parallel_loop3A_867 : vector<1x16xf32> to vector<16xf32>
        %parallel_loop3A_869 = arith.index_cast %and3A_247 : i32 to index
        %parallel_loop3A_870 = arith.index_cast %parallel_loop3A_276 : i32 to index
        %parallel_loop3A_871 = arith.constant 720 : index
        %parallel_loop3A_872 = tpu.vector_load %arg8[%parallel_loop3A_869, %parallel_loop3A_870, %parallel_loop3A_871] {strides = array<i32>} : memref<4x16x768xf32, #tpu.memory_space<vmem>>, vector<1x1x16xf32>,
        %parallel_loop3A_873 = vector.shape_cast %parallel_loop3A_872 : vector<1x1x16xf32> to vector<16xf32>
        %parallel_loop3A_874 = vector.shape_cast %parallel_loop3A_868 : vector<16xf32> to vector<1x1x16xf32>
        tpu.vector_store %arg8[%parallel_loop3A_869, %parallel_loop3A_870, %parallel_loop3A_871], %parallel_loop3A_874 {add = true, strides = array<i32>} : memref<4x16x768xf32, #tpu.memory_space<vmem>>, vector<1x1x16xf32>,
        %parallel_loop3A_875 = arith.constant 16 : i32
        %parallel_loop3A_876 = arith.muli %and3A_249, %parallel_loop3A_875 : i32
        %parallel_loop3A_877 = arith.addi %parallel_loop3A_876, %parallel_loop3A_276 : i32
        %parallel_loop3A_878 = arith.index_cast %parallel_loop3A_877 : i32 to index
        %parallel_loop3A_879 = arith.constant 736 : index
        %parallel_loop3A_880 = tpu.vector_load %arg7[%parallel_loop3A_878, %parallel_loop3A_879] {strides = array<i32>} : memref<64x768xf32, #tpu.memory_space<vmem>>, vector<1x16xf32>,
        %parallel_loop3A_881 = vector.shape_cast %parallel_loop3A_880 : vector<1x16xf32> to vector<16xf32>
        %parallel_loop3A_882 = arith.index_cast %and3A_247 : i32 to index
        %parallel_loop3A_883 = arith.index_cast %parallel_loop3A_276 : i32 to index
        %parallel_loop3A_884 = arith.constant 736 : index
        %parallel_loop3A_885 = tpu.vector_load %arg8[%parallel_loop3A_882, %parallel_loop3A_883, %parallel_loop3A_884] {strides = array<i32>} : memref<4x16x768xf32, #tpu.memory_space<vmem>>, vector<1x1x16xf32>,
        %parallel_loop3A_886 = vector.shape_cast %parallel_loop3A_885 : vector<1x1x16xf32> to vector<16xf32>
        %parallel_loop3A_887 = vector.shape_cast %parallel_loop3A_881 : vector<16xf32> to vector<1x1x16xf32>
        tpu.vector_store %arg8[%parallel_loop3A_882, %parallel_loop3A_883, %parallel_loop3A_884], %parallel_loop3A_887 {add = true, strides = array<i32>} : memref<4x16x768xf32, #tpu.memory_space<vmem>>, vector<1x1x16xf32>,
        %parallel_loop3A_888 = arith.constant 16 : i32
        %parallel_loop3A_889 = arith.muli %and3A_249, %parallel_loop3A_888 : i32
        %parallel_loop3A_890 = arith.addi %parallel_loop3A_889, %parallel_loop3A_276 : i32
        %parallel_loop3A_891 = arith.index_cast %parallel_loop3A_890 : i32 to index
        %parallel_loop3A_892 = arith.constant 752 : index
        %parallel_loop3A_893 = tpu.vector_load %arg7[%parallel_loop3A_891, %parallel_loop3A_892] {strides = array<i32>} : memref<64x768xf32, #tpu.memory_space<vmem>>, vector<1x16xf32>,
        %parallel_loop3A_894 = vector.shape_cast %parallel_loop3A_893 : vector<1x16xf32> to vector<16xf32>
        %parallel_loop3A_895 = arith.index_cast %and3A_247 : i32 to index
        %parallel_loop3A_896 = arith.index_cast %parallel_loop3A_276 : i32 to index
        %parallel_loop3A_897 = arith.constant 752 : index
        %parallel_loop3A_898 = tpu.vector_load %arg8[%parallel_loop3A_895, %parallel_loop3A_896, %parallel_loop3A_897] {strides = array<i32>} : memref<4x16x768xf32, #tpu.memory_space<vmem>>, vector<1x1x16xf32>,
        %parallel_loop3A_899 = vector.shape_cast %parallel_loop3A_898 : vector<1x1x16xf32> to vector<16xf32>
        %parallel_loop3A_900 = vector.shape_cast %parallel_loop3A_894 : vector<16xf32> to vector<1x1x16xf32>
        tpu.vector_store %arg8[%parallel_loop3A_895, %parallel_loop3A_896, %parallel_loop3A_897], %parallel_loop3A_900 {add = true, strides = array<i32>} : memref<4x16x768xf32, #tpu.memory_space<vmem>>, vector<1x1x16xf32>,
      } {sc.loop_unroll_factor = 2 : i64, sc.parallel_access}
      %and3A_252 = arith.constant 3 : i32
      %and3A_253 = arith.andi %scan3A_228, %and3A_252 : i32
      %shift_right_logical3A_254 = arith.constant 2 : i32
      %shift_right_logical3A_255 = arith.shrui %scan3A_228, %shift_right_logical3A_254 : i32
      %and3A_256 = arith.constant 3 : i32
      %and3A_257 = arith.andi %scan3A_228, %and3A_256 : i32
      %mul3A_258 = arith.constant 16 : i32
      %mul3A_259 = arith.muli %and3A_257, %mul3A_258 : i32
      %add3A_260 = arith.addi %multiple_of3A, %mul3A_259 : i32
      %multiple_of3A_261 = tpu.assume_multiple %add3A_260, 8 : i32
      %dma_start3A_262 = arith.constant 0 : i32
      %dma_start3A_263 = arith.constant 0 : i32
      %dma_start3A_264 = tpu.memref_slice %arg8[%and3A_253, %dma_start3A_262, %dma_start3A_263] : memref<4x16x768xf32, #tpu.memory_space<vmem>> -> memref<1x16x768xf32, #tpu.memory_space<vmem>>
      %dma_start3A_265 = tpu.memref_squeeze %dma_start3A_264 : memref<1x16x768xf32, #tpu.memory_space<vmem>> -> memref<16x768xf32, #tpu.memory_space<vmem>>
      %dma_start3A_266 = arith.constant 0 : i32
      %dma_start3A_267 = tpu.memref_slice %arg5[%shift_right_logical3A_255, %multiple_of3A_261, %dma_start3A_266] : memref<4x2048x768xf32, #tpu.memory_space<hbm>> -> memref<1x16x768xf32, #tpu.memory_space<hbm>>
      %dma_start3A_268 = tpu.memref_squeeze %dma_start3A_267 : memref<1x16x768xf32, #tpu.memory_space<hbm>> -> memref<16x768xf32, #tpu.memory_space<hbm>>
      %dma_start3A_269 = arith.constant 0 : i32
      %dma_start3A_270 = tpu.memref_slice %arg5[%shift_right_logical3A_255, %multiple_of3A_261, %dma_start3A_269] : memref<4x2048x768xf32, #tpu.memory_space<hbm>> -> memref<1x16x768xf32, #tpu.memory_space<hbm>>
      %dma_start3A_271 = tpu.memref_squeeze %dma_start3A_270 : memref<1x16x768xf32, #tpu.memory_space<hbm>> -> memref<16x768xf32, #tpu.memory_space<hbm>>
      %dma_start3A_272 = arith.constant 0 : i32
      %dma_start3A_273 = arith.constant 0 : i32
      %dma_start3A_274 = tpu.memref_slice %arg8[%and3A_253, %dma_start3A_272, %dma_start3A_273] : memref<4x16x768xf32, #tpu.memory_space<vmem>> -> memref<1x16x768xf32, #tpu.memory_space<vmem>>
      %dma_start3A_275 = tpu.memref_squeeze %dma_start3A_274 : memref<1x16x768xf32, #tpu.memory_space<vmem>> -> memref<16x768xf32, #tpu.memory_space<vmem>>
      tpu.enqueue_dma source(%dma_start3A_275 : memref<16x768xf32, #tpu.memory_space<vmem>>) target(%dma_start3A_271 : memref<16x768xf32, #tpu.memory_space<hbm>>) target_semaphore(%arg12 : memref<!tpu.dma_semaphore, #tpu.memory_space<semaphore_mem>>)
    }
    %scan3A_120 = arith.constant 16 : i32
    %and3A_121 = arith.constant 12 : i32
    %and3A_122 = arith.constant 3 : i32
    %and3A_123 = arith.andi %and3A_121, %and3A_122 : i32
    %shift_right_logical3A = arith.constant 12 : i32
    %shift_right_logical3A_124 = arith.constant 2 : i32
    %shift_right_logical3A_125 = arith.shrui %shift_right_logical3A, %shift_right_logical3A_124 : i32
    %and3A_126 = arith.constant 12 : i32
    %and3A_127 = arith.constant 3 : i32
    %and3A_128 = arith.andi %and3A_126, %and3A_127 : i32
    %mul3A_129 = arith.constant 16 : i32
    %mul3A_130 = arith.muli %and3A_128, %mul3A_129 : i32
    %add3A_131 = arith.addi %multiple_of3A, %mul3A_130 : i32
    %multiple_of3A_132 = tpu.assume_multiple %add3A_131, 8 : i32
    %dma_wait3A_133 = arith.constant 0 : i32
    %dma_wait3A_134 = arith.constant 0 : i32
    %dma_wait3A_135 = tpu.memref_slice %arg8[%and3A_123, %dma_wait3A_133, %dma_wait3A_134] : memref<4x16x768xf32, #tpu.memory_space<vmem>> -> memref<1x16x768xf32, #tpu.memory_space<vmem>>
    %dma_wait3A_136 = tpu.memref_squeeze %dma_wait3A_135 : memref<1x16x768xf32, #tpu.memory_space<vmem>> -> memref<16x768xf32, #tpu.memory_space<vmem>>
    %dma_wait3A_137 = arith.constant 0 : i32
    %dma_wait3A_138 = tpu.memref_slice %arg5[%shift_right_logical3A_125, %multiple_of3A_132, %dma_wait3A_137] : memref<4x2048x768xf32, #tpu.memory_space<hbm>> -> memref<1x16x768xf32, #tpu.memory_space<hbm>>
    %dma_wait3A_139 = tpu.memref_squeeze %dma_wait3A_138 : memref<1x16x768xf32, #tpu.memory_space<hbm>> -> memref<16x768xf32, #tpu.memory_space<hbm>>
    %dma_wait3A_140 = arith.constant 0 : i32
    %dma_wait3A_141 = tpu.memref_slice %arg5[%shift_right_logical3A_125, %multiple_of3A_132, %dma_wait3A_140] : memref<4x2048x768xf32, #tpu.memory_space<hbm>> -> memref<1x16x768xf32, #tpu.memory_space<hbm>>
    %dma_wait3A_142 = tpu.memref_squeeze %dma_wait3A_141 : memref<1x16x768xf32, #tpu.memory_space<hbm>> -> memref<16x768xf32, #tpu.memory_space<hbm>>
    %dma_wait3A_143 = arith.constant 0 : i32
    %dma_wait3A_144 = arith.constant 0 : i32
    %dma_wait3A_145 = tpu.memref_slice %arg8[%and3A_123, %dma_wait3A_143, %dma_wait3A_144] : memref<4x16x768xf32, #tpu.memory_space<vmem>> -> memref<1x16x768xf32, #tpu.memory_space<vmem>>
    %dma_wait3A_146 = tpu.memref_squeeze %dma_wait3A_145 : memref<1x16x768xf32, #tpu.memory_space<vmem>> -> memref<16x768xf32, #tpu.memory_space<vmem>>
    tpu.wait_dma2 semaphore(%arg12 : memref<!tpu.dma_semaphore, #tpu.memory_space<semaphore_mem>>) src(%dma_wait3A_146 : memref<16x768xf32, #tpu.memory_space<vmem>>) dst(%dma_wait3A_142 : memref<16x768xf32, #tpu.memory_space<hbm>>)
    %and3A_147 = arith.constant 13 : i32
    %and3A_148 = arith.constant 3 : i32
    %and3A_149 = arith.andi %and3A_147, %and3A_148 : i32
    %shift_right_logical3A_150 = arith.constant 13 : i32
    %shift_right_logical3A_151 = arith.constant 2 : i32
    %shift_right_logical3A_152 = arith.shrui %shift_right_logical3A_150, %shift_right_logical3A_151 : i32
    %and3A_153 = arith.constant 13 : i32
    %and3A_154 = arith.constant 3 : i32
    %and3A_155 = arith.andi %and3A_153, %and3A_154 : i32
    %mul3A_156 = arith.constant 16 : i32
    %mul3A_157 = arith.muli %and3A_155, %mul3A_156 : i32
    %add3A_158 = arith.addi %multiple_of3A, %mul3A_157 : i32
    %multiple_of3A_159 = tpu.assume_multiple %add3A_158, 8 : i32
    %dma_wait3A_160 = arith.constant 0 : i32
    %dma_wait3A_161 = arith.constant 0 : i32
    %dma_wait3A_162 = tpu.memref_slice %arg8[%and3A_149, %dma_wait3A_160, %dma_wait3A_161] : memref<4x16x768xf32, #tpu.memory_space<vmem>> -> memref<1x16x768xf32, #tpu.memory_space<vmem>>
    %dma_wait3A_163 = tpu.memref_squeeze %dma_wait3A_162 : memref<1x16x768xf32, #tpu.memory_space<vmem>> -> memref<16x768xf32, #tpu.memory_space<vmem>>
    %dma_wait3A_164 = arith.constant 0 : i32
    %dma_wait3A_165 = tpu.memref_slice %arg5[%shift_right_logical3A_152, %multiple_of3A_159, %dma_wait3A_164] : memref<4x2048x768xf32, #tpu.memory_space<hbm>> -> memref<1x16x768xf32, #tpu.memory_space<hbm>>
    %dma_wait3A_166 = tpu.memref_squeeze %dma_wait3A_165 : memref<1x16x768xf32, #tpu.memory_space<hbm>> -> memref<16x768xf32, #tpu.memory_space<hbm>>
    %dma_wait3A_167 = arith.constant 0 : i32
    %dma_wait3A_168 = tpu.memref_slice %arg5[%shift_right_logical3A_152, %multiple_of3A_159, %dma_wait3A_167] : memref<4x2048x768xf32, #tpu.memory_space<hbm>> -> memref<1x16x768xf32, #tpu.memory_space<hbm>>
    %dma_wait3A_169 = tpu.memref_squeeze %dma_wait3A_168 : memref<1x16x768xf32, #tpu.memory_space<hbm>> -> memref<16x768xf32, #tpu.memory_space<hbm>>
    %dma_wait3A_170 = arith.constant 0 : i32
    %dma_wait3A_171 = arith.constant 0 : i32
    %dma_wait3A_172 = tpu.memref_slice %arg8[%and3A_149, %dma_wait3A_170, %dma_wait3A_171] : memref<4x16x768xf32, #tpu.memory_space<vmem>> -> memref<1x16x768xf32, #tpu.memory_space<vmem>>
    %dma_wait3A_173 = tpu.memref_squeeze %dma_wait3A_172 : memref<1x16x768xf32, #tpu.memory_space<vmem>> -> memref<16x768xf32, #tpu.memory_space<vmem>>
    tpu.wait_dma2 semaphore(%arg12 : memref<!tpu.dma_semaphore, #tpu.memory_space<semaphore_mem>>) src(%dma_wait3A_173 : memref<16x768xf32, #tpu.memory_space<vmem>>) dst(%dma_wait3A_169 : memref<16x768xf32, #tpu.memory_space<hbm>>)
    %and3A_174 = arith.constant 14 : i32
    %and3A_175 = arith.constant 3 : i32
    %and3A_176 = arith.andi %and3A_174, %and3A_175 : i32
    %shift_right_logical3A_177 = arith.constant 14 : i32
    %shift_right_logical3A_178 = arith.constant 2 : i32
    %shift_right_logical3A_179 = arith.shrui %shift_right_logical3A_177, %shift_right_logical3A_178 : i32
    %and3A_180 = arith.constant 14 : i32
    %and3A_181 = arith.constant 3 : i32
    %and3A_182 = arith.andi %and3A_180, %and3A_181 : i32
    %mul3A_183 = arith.constant 16 : i32
    %mul3A_184 = arith.muli %and3A_182, %mul3A_183 : i32
    %add3A_185 = arith.addi %multiple_of3A, %mul3A_184 : i32
    %multiple_of3A_186 = tpu.assume_multiple %add3A_185, 8 : i32
    %dma_wait3A_187 = arith.constant 0 : i32
    %dma_wait3A_188 = arith.constant 0 : i32
    %dma_wait3A_189 = tpu.memref_slice %arg8[%and3A_176, %dma_wait3A_187, %dma_wait3A_188] : memref<4x16x768xf32, #tpu.memory_space<vmem>> -> memref<1x16x768xf32, #tpu.memory_space<vmem>>
    %dma_wait3A_190 = tpu.memref_squeeze %dma_wait3A_189 : memref<1x16x768xf32, #tpu.memory_space<vmem>> -> memref<16x768xf32, #tpu.memory_space<vmem>>
    %dma_wait3A_191 = arith.constant 0 : i32
    %dma_wait3A_192 = tpu.memref_slice %arg5[%shift_right_logical3A_179, %multiple_of3A_186, %dma_wait3A_191] : memref<4x2048x768xf32, #tpu.memory_space<hbm>> -> memref<1x16x768xf32, #tpu.memory_space<hbm>>
    %dma_wait3A_193 = tpu.memref_squeeze %dma_wait3A_192 : memref<1x16x768xf32, #tpu.memory_space<hbm>> -> memref<16x768xf32, #tpu.memory_space<hbm>>
    %dma_wait3A_194 = arith.constant 0 : i32
    %dma_wait3A_195 = tpu.memref_slice %arg5[%shift_right_logical3A_179, %multiple_of3A_186, %dma_wait3A_194] : memref<4x2048x768xf32, #tpu.memory_space<hbm>> -> memref<1x16x768xf32, #tpu.memory_space<hbm>>
    %dma_wait3A_196 = tpu.memref_squeeze %dma_wait3A_195 : memref<1x16x768xf32, #tpu.memory_space<hbm>> -> memref<16x768xf32, #tpu.memory_space<hbm>>
    %dma_wait3A_197 = arith.constant 0 : i32
    %dma_wait3A_198 = arith.constant 0 : i32
    %dma_wait3A_199 = tpu.memref_slice %arg8[%and3A_176, %dma_wait3A_197, %dma_wait3A_198] : memref<4x16x768xf32, #tpu.memory_space<vmem>> -> memref<1x16x768xf32, #tpu.memory_space<vmem>>
    %dma_wait3A_200 = tpu.memref_squeeze %dma_wait3A_199 : memref<1x16x768xf32, #tpu.memory_space<vmem>> -> memref<16x768xf32, #tpu.memory_space<vmem>>
    tpu.wait_dma2 semaphore(%arg12 : memref<!tpu.dma_semaphore, #tpu.memory_space<semaphore_mem>>) src(%dma_wait3A_200 : memref<16x768xf32, #tpu.memory_space<vmem>>) dst(%dma_wait3A_196 : memref<16x768xf32, #tpu.memory_space<hbm>>)
    %and3A_201 = arith.constant 15 : i32
    %and3A_202 = arith.constant 3 : i32
    %and3A_203 = arith.andi %and3A_201, %and3A_202 : i32
    %shift_right_logical3A_204 = arith.constant 15 : i32
    %shift_right_logical3A_205 = arith.constant 2 : i32
    %shift_right_logical3A_206 = arith.shrui %shift_right_logical3A_204, %shift_right_logical3A_205 : i32
    %and3A_207 = arith.constant 15 : i32
    %and3A_208 = arith.constant 3 : i32
    %and3A_209 = arith.andi %and3A_207, %and3A_208 : i32
    %mul3A_210 = arith.constant 16 : i32
    %mul3A_211 = arith.muli %and3A_209, %mul3A_210 : i32
    %add3A_212 = arith.addi %multiple_of3A, %mul3A_211 : i32
    %multiple_of3A_213 = tpu.assume_multiple %add3A_212, 8 : i32
    %dma_wait3A_214 = arith.constant 0 : i32
    %dma_wait3A_215 = arith.constant 0 : i32
    %dma_wait3A_216 = tpu.memref_slice %arg8[%and3A_203, %dma_wait3A_214, %dma_wait3A_215] : memref<4x16x768xf32, #tpu.memory_space<vmem>> -> memref<1x16x768xf32, #tpu.memory_space<vmem>>
    %dma_wait3A_217 = tpu.memref_squeeze %dma_wait3A_216 : memref<1x16x768xf32, #tpu.memory_space<vmem>> -> memref<16x768xf32, #tpu.memory_space<vmem>>
    %dma_wait3A_218 = arith.constant 0 : i32
    %dma_wait3A_219 = tpu.memref_slice %arg5[%shift_right_logical3A_206, %multiple_of3A_213, %dma_wait3A_218] : memref<4x2048x768xf32, #tpu.memory_space<hbm>> -> memref<1x16x768xf32, #tpu.memory_space<hbm>>
    %dma_wait3A_220 = tpu.memref_squeeze %dma_wait3A_219 : memref<1x16x768xf32, #tpu.memory_space<hbm>> -> memref<16x768xf32, #tpu.memory_space<hbm>>
    %dma_wait3A_221 = arith.constant 0 : i32
    %dma_wait3A_222 = tpu.memref_slice %arg5[%shift_right_logical3A_206, %multiple_of3A_213, %dma_wait3A_221] : memref<4x2048x768xf32, #tpu.memory_space<hbm>> -> memref<1x16x768xf32, #tpu.memory_space<hbm>>
    %dma_wait3A_223 = tpu.memref_squeeze %dma_wait3A_222 : memref<1x16x768xf32, #tpu.memory_space<hbm>> -> memref<16x768xf32, #tpu.memory_space<hbm>>
    %dma_wait3A_224 = arith.constant 0 : i32
    %dma_wait3A_225 = arith.constant 0 : i32
    %dma_wait3A_226 = tpu.memref_slice %arg8[%and3A_203, %dma_wait3A_224, %dma_wait3A_225] : memref<4x16x768xf32, #tpu.memory_space<vmem>> -> memref<1x16x768xf32, #tpu.memory_space<vmem>>
    %dma_wait3A_227 = tpu.memref_squeeze %dma_wait3A_226 : memref<1x16x768xf32, #tpu.memory_space<vmem>> -> memref<16x768xf32, #tpu.memory_space<vmem>>
    tpu.wait_dma2 semaphore(%arg12 : memref<!tpu.dma_semaphore, #tpu.memory_space<semaphore_mem>>) src(%dma_wait3A_227 : memref<16x768xf32, #tpu.memory_space<vmem>>) dst(%dma_wait3A_223 : memref<16x768xf32, #tpu.memory_space<hbm>>)
    return
  }
}

</mosaic_0001>

<sc_bundles>
// kernel: kernel.3.cloned.1.call-start
scs
__scs_entry_jumppad:
0x0: {  	(pc) =	sbr.rel $0x88, $3  }
0x1: {  	(tag) =	ssettag $0x0;
	lr =	simm.s32 $0x1  }
0x2: {  	[smem:$0x3F9E] =	sst lr;
	_ =	strace $0xD0000000  }
0x3: {  	_ = 	snop  }
0x4: {  	_ = 	snop  }
0x5: {  	_ = 	snop  }
0x6: {  	_ = 	snop  }
0x7: {  	_ = 	snop  }
__scs_overlays_trampoline_lowered:
0x8: {  	[smem:$0x3FAD] =	sst s0  }
0x9: {  	[smem:$0x3FAE] =	sst s1  }
0xa: {  	[smem:$0x3FAF] =	sst s2  }
0xb: {  	[smem:$0x3FB0] =	sst s3  }
0xc: {  	[smem:$0x3FB1] =	sst s4  }
0xd: {  	[smem:$0x3FB2] =	sst s5  }
0xe: {  	[smem:$0x3FB3] =	sst s6  }
0xf: {  	[smem:$0x3FB4] =	sst s7  }
0x10: {  	[smem:$0x3FB5] =	sst s8  }
0x11: {  	[smem:$0x3FB6] =	sst s9;
	s0 =	simm.s32 @!p0 $0x0  }
0x12: {  	s1 =	sld [smem:$0x3F9C];
	s0 =	simm.s32 @p0 $0x1  }
0x13: {  	[smem:$0x3FB7] =	sst s0;
	s0 =	simm.s32 @!p1 $0x0  }
0x14: {  	s2 =	sld [smem:$0x3F9B];
	s0 =	simm.s32 @p1 $0x1  }
0x15: {  	[smem:$0x3FB8] =	sst s0;
	s0 =	simm.s32 @!p2 $0x0  }
0x16: {  	s3 =	sld [smem:$0x3FDB];
	s0 =	simm.s32 @p2 $0x1  }
0x17: {  	s4 =	simm.s32 $0x1BF5;
	[smem:$0x3FBA] =	sst s0  }
0x18: {  	s0 =	sld [smem:$0x3F9D];
	_ =	swait.ge [sflag:s4], $0x0  }
0x19: {  	s7 =	sld [smem:$0x3F9E]  }
0x1a: {  	s8 =	sadd.s32 $0xFFFFE003, lr  }
0x1b: {  	s9 =	sadd.s32 $0xFFFFFEF7, lr;
	s5 =	simm.s32 $0xFFFFFFFF;
	p2 =	slt.u32 s8, $0xFFFFF086  }
0x1c: {  	p1 =	slt.u32 s9, $0xF7A;
	s5 =	simm.s32 @!p2 $0x0  }
0x1d: {  	s5 =	simm.s32 @p1 $0x1;
	p0 =	seq.s32 s7, s2  }
0x1e: {  	s7 =	smul.u32 @!p0 $0xF7A, s2;
	p2 =	seq.s32 @!p0 s5, $0x0  }
0x1f: {  	s9 =	smul.u32 $0xF7A, s1;
	s8 =	simm.s32 @!p0 $0x1BF5;
	p2 =	por !p2, p0  }
0x20: {  	[sflag:s8] =	ssyncset.s32 @!p0 $0xFFFFF086;
	s6 =	sadd.s32 @!p0 s3, s7;
	s7 =	simm.s32 @!p0 $0x108  }
0x21: {  	s3 =	sadd.s32 s3, s9;
	s6 =	sadd.s32 @!p0 $0x88, s6;
	s7 =	simm.s32 @p2 $0x1082  }
0x22: {  	[simem:s7], [sflag:s8] =	dma.local @!p0 [hbm:s6], $0xF7A  }
0x23: {  	s9 =	sor.u32 $0xD0000000, s2;
	s6 =	simm.s32 $0x108;
	_ =	swait.ge @!p0 [sflag:s8], $0x0  }
0x24: {  	s3 =	sadd.s32 $0x88, s3;
	s6 =	simm.s32 @!p1 $0x1082;
	[sflag:s4] =	ssyncset.s32 $0xFFFFF086  }
0x25: {  	[simem:s6], [sflag:s4] =	dma.local [hbm:s3], $0xF7A  }
0x26: {  	[smem:$0x3F9E] =	sst s1;
	(tag) =	ssettag s2;
	_ =	strace s9  }
0x27: {  	s1 =	sld [smem:$0x3FAE]  }
0x28: {  	s2 =	sld [smem:$0x3FAF]  }
0x29: {  	s4 =	sld [smem:$0x3FB1]  }
0x2a: {  	p0 =	seq.s32 s5, $0x0;
	s5 =	sld [smem:$0x3FB2]  }
0x2b: {  	s6 =	sld [smem:$0x3FB3]  }
0x2c: {  	s7 =	sld [smem:$0x3FB4]  }
0x2d: {  	s3 =	simm.s32 $0x108;
	s8 =	sld [smem:$0x3FB5]  }
0x2e: {  	s3 =	simm.s32 @!p0 $0x1082;
	s9 =	sld [smem:$0x3FB6]  }
0x2f: {  	lr =	sadd.s32 s0, s3;
	s0 =	sld [smem:$0x3FAD]  }
0x30: {  	s3 =	sld [smem:$0x3FB0]  }
0x31: {  	[smem:$0x3FB9] =	sst s10  }
0x32: {  	s10 =	sld [smem:$0x3FB7];
	_ =	sdelay $0x3  }
0x33: {  	p0 =	seq.s32 s10, $0x1;
	s10 =	sld [smem:$0x3FB9];
	_ =	sdelay $0x3  }
0x34: {  	[smem:$0x3FB9] =	sst s10  }
0x35: {  	s10 =	sld [smem:$0x3FB8];
	_ =	sdelay $0x3  }
0x36: {  	p1 =	seq.s32 s10, $0x1;
	s10 =	sld [smem:$0x3FB9];
	_ =	sdelay $0x3  }
0x37: {  	[smem:$0x3FB9] =	sst s10  }
0x38: {  	s10 =	sld [smem:$0x3FBA]  }
0x39: {  	_ = 	snop;
	(pc) =	sbr.ind lr, $3  }
0x3a: {  	_ = 	snop  }
0x3b: {  	_ = 	snop  }
0x3c: {  	p2 =	seq.s32 s10, $0x1;
	s10 =	sld [smem:$0x3FB9]  }
0x3d: {  	_ =	shalt  }
0x3e: {  	_ =	shalt  }
0x3f: {  	_ =	shalt  }
0x40: {  	_ =	shalt  }
0x41: {  	_ =	shalt  }
0x42: {  	_ =	shalt  }
0x43: {  	_ =	shalt  }
0x44: {  	_ =	shalt  }
0x45: {  	_ =	shalt  }
0x46: {  	_ =	shalt  }
0x47: {  	_ =	shalt  }
0x48: {  	_ =	shalt  }
0x49: {  	_ =	shalt  }
0x4a: {  	_ =	shalt  }
0x4b: {  	_ =	shalt  }
0x4c: {  	_ =	shalt  }
0x4d: {  	_ =	shalt  }
0x4e: {  	_ =	shalt  }
0x4f: {  	_ =	shalt  }
0x50: {  	_ =	shalt  }
0x51: {  	_ =	shalt  }
0x52: {  	_ =	shalt  }
0x53: {  	_ =	shalt  }
0x54: {  	_ =	shalt  }
0x55: {  	_ =	shalt  }
0x56: {  	_ =	shalt  }
0x57: {  	_ =	shalt  }
0x58: {  	_ =	shalt  }
0x59: {  	_ =	shalt  }
0x5a: {  	_ =	shalt  }
0x5b: {  	_ =	shalt  }
0x5c: {  	_ =	shalt  }
0x5d: {  	_ =	shalt  }
0x5e: {  	_ =	shalt  }
0x5f: {  	_ =	shalt  }
0x60: {  	_ =	shalt  }
0x61: {  	_ =	shalt  }
0x62: {  	_ =	shalt  }
0x63: {  	_ =	shalt  }
0x64: {  	_ =	shalt  }
0x65: {  	_ =	shalt  }
0x66: {  	_ =	shalt  }
0x67: {  	_ =	shalt  }
0x68: {  	_ =	shalt  }
0x69: {  	_ =	shalt  }
0x6a: {  	_ =	shalt  }
0x6b: {  	_ =	shalt  }
0x6c: {  	_ =	shalt  }
0x6d: {  	_ =	shalt  }
0x6e: {  	_ =	shalt  }
0x6f: {  	_ =	shalt  }
0x70: {  	_ =	shalt  }
0x71: {  	_ =	shalt  }
0x72: {  	_ =	shalt  }
0x73: {  	_ =	shalt  }
0x74: {  	_ =	shalt  }
0x75: {  	_ =	shalt  }
0x76: {  	_ =	shalt  }
0x77: {  	_ =	shalt  }
0x78: {  	_ =	shalt  }
0x79: {  	_ =	shalt  }
0x7a: {  	_ =	shalt  }
0x7b: {  	_ =	shalt  }
0x7c: {  	_ =	shalt  }
0x7d: {  	_ =	shalt  }
0x7e: {  	_ =	shalt  }
0x7f: {  	_ =	shalt  }
0x80: {  	_ =	shalt  }
0x81: {  	_ =	shalt  }
0x82: {  	_ =	shalt  }
0x83: {  	_ =	shalt  }
0x84: {  	_ =	shalt  }
0x85: {  	_ =	shalt  }
0x86: {  	_ =	shalt  }
0x87: {  	_ =	shalt  }
.Lfunc_end0:
.L_simem_size_0:
called_computation_lowered:
.L_overlay_start_0:
0x88: {  	s2 =	sld [smem:$0x3FD9]  }
0x89: {  	s3 =	sld [smem:$0x3FFE];
	_ =	sdelay $0x1  }
0x8a: {  	s1 =	srdreg.scid  }
0x8b: {  	s0 =	sand.u32 $0x1, s1  }
0x8c: {  	s18 =	sshll.u32 s0, $0xA;
	s2 =	sadd.s32 s3, s2  }
0x8d: {  	s2 =	sadd.s32 s2, s18  }
0x8e: {  	[smem:$0x3FC5] =	sst s2  }
0x8f: {  	_ = 	snop  }
0x90: {  	s2 =	sld [smem:$0x3FC9]  }
0x91: {  	s19 =	sld [smem:$0x3FC8]  }
0x92: {  	s4 =	sld [smem:$0x3FC7]  }
0x93: {  	s5 =	sld [smem:$0x3FD0];
	(tm) =	ssettm $0x1  }
0x94: {  	s6 =	sld [smem:$0x3FFB];
	_ =	sdelay $0x3  }
0x95: {  	_ =	strace s6  }
0x96: {  	s6 =	sld [smem:$0x3FFC];
	_ =	sdelay $0x3  }
0x97: {  	_ =	strace s6  }
0x98: {  	s6 =	sld [smem:$0x3FFD];
	_ =	sdelay $0x3  }
0x99: {  	_ =	strace s6  }
0x9a: {  	_ =	strace $0x8FFFFFFF  }
0x9b: {  	s20 =	sld [smem:$0x3FDB];
	_ =	sdelay $0x1  }
0x9c: {  	s7 =	simm.s32 $_scs_section_size  }
0x9d: {  	s8 =	simm.s32 $_size__tile_overlayer_lowered;
	s9 =	simm.s32 $_tile_overlayer_lowered  }
0x9e: {  	s23 =	simm.s32 $0x1BFF;
	s22 =	sshll.u32 s9, $0x1;
	s6 =	sadd.s32 s7, s20  }
0x9f: {  	s10 =	simm.s32 $0x0;
	s21 =	sshll.u32 s8, $0x1;
	s8 =	sadd.s32 s22, s6  }
0xa0: {  	[timem:s10], [sflag:s23] =	dma.local [hbm:s8], s21  }
0xa1: {  	_ =	swait.ge [sflag:s23], s21  }
0xa2: {  	s7 =	ssub.s32 $0x0, s21;
	[sflag:s23] =	ssyncset.done $0x0  }
0xa3: {  	[sflag:s23] =	ssyncadd.s32 s7;
	_ =	sdelay $0x1  }
0xa4: {  	s24 =	simm.s32 $0x1B8B  }
0xa5: {  	_ =	swait.ge [sflag:s24], $0x1  }
0xa6: {  	[sflag:s24] =	ssyncset.done $0x0  }
0xa7: {  	s25 =	simm.s32 $0x1B8E;
	[sflag:s24] =	ssyncadd.s32 $0xFFFFFFFF  }
0xa8: {  	s26 =	simm.s32 $execute0_lowered;
	[smem:$0x3FD2] =	sst s25  }
0xa9: {  	s7 =	sshll.u32 s26, $0x1;
	_ =	strace $0x80000046;
	[dreg:$0x1] =	wrdreg $0xFFFFFFFF  }
0xaa: {  	s28 =	simm.s32 $_size_execute0_lowered;
	s6 =	sadd.s32 s6, s7;
	[dreg:$0x0] =	wrdreg $0x0  }
0xab: {  	s7 =	sshll.u32 s28, $0x1;
	[dreg:$0x2] =	wrdreg s6  }
0xac: {  	[dreg:$0x3] =	wrdreg s7  }
0xad: {  	[dreg:$0x4] =	wrdreg $0xC0  }
0xae: {  	_ =	task [dreg:s10], $0x5FFFF  }
0xaf: {  	[dreg:$0x1] =	wrdreg $0xFFFFFFFF  }
0xb0: {  	[dreg:$0x0] =	wrdreg $0x60  }
0xb1: {  	[dreg:$0x2] =	wrdreg s2  }
0xb2: {  	[dreg:$0x3] =	wrdreg s19  }
0xb3: {  	[dreg:$0x4] =	wrdreg s4  }
0xb4: {  	[dreg:$0x5] =	wrdreg s5  }
0xb5: {  	[dreg:$0x6] =	wrdreg $0x9  }
0xb6: {  	_ =	task.clear_ibuf [dreg:s10], $0x7FFFF;
	_ =	strace $0x90000046  }
0xb7: {  	s29 =	simm.s32 $0x9;
	_ =	strace $0x80000048  }
0xb8: {  	_ =	swait.ge [sflag:s29], $0x1  }
0xb9: {  	[sflag:s29] =	ssyncadd.s32 $0xFFFFFFFF  }
0xba: {  	_ =	strace $0x90000048  }
0xbb: {  	_ =	sfence  }
0xbc: {  	s30 =	sld [smem:$0x0];
	_ =	sdelay $0x2  }
0xbd: {  	s31 =	sshll.u32 s1, $0xD;
	s1 =	sshrl.u32 s1, $0x2  }
0xbe: {  	s3 =	sand.u32 $0x4000, s31;
	s1 =	sadd.s32 s1, s30  }
0xbf: {  	s0 =	sor.u32 s3, s0;
	s1 =	sshll.u32 s1, $0x11  }
0xc0: {  	s0 =	sor.u32 s1, s0  }
0xc1: {  	s0 =	sadd.s32 $0x8F2B, s0  }
0xc2: {  	[sflag:s0] =	ssyncadd.remote.s32 $0x1  }
0xc3: {  	_ =	sfence.sel $0xFFFF  }
0xc4: {  	[dreg:$0x0] =	wrdreg $0xFFFFFFFF;
	(pc) =	sbr.abs _section_cstart, $3  }
0xc5: {  	[dreg:$0x1] =	wrdreg $0xFFFFFFFF  }
0xc6: {  	_ =	task.clear_ibuf [dreg:s10], $0x2FFFF;
	_ =	strace $0x9FFFFFFF  }
0xc7: {  	(tm) =	ssettm $0x7FFFFFFF  }
tec
execute0_lowered:
.L_overlay_start_1:
0x0: {  	(tag) =	ssettag $0x1  }
0x1: {  	s0 =	rddreg [dreg:$0x0];
	s2 =	srdreg.scid  }
0x2: {  	s1 =	rddreg [dreg:$0x1];
	s4 =	stileid.u32;
	s2 =	sand.u32 $0x1, s2  }
0x3: {  	s3 =	rddreg [dreg:$0x2];
	s4 =	sshll.u32 s4, $0x7;
	s6 =	sshll.u32 s2, $0x6  }
0x4: {  	s5 =	simm.s32 $0x0;
	s2 =	ssub.s32 $0x2, s2;
	s4 =	sor.u32 s6, s4  }
0x5: {  	[smem:$0x7FF] =	sst s5;
	s8 =	sshrl.u32 s2, $0x1;
	s7 =	sshll.u32 s4, $0x2  }
0x6: {  	s11 =	sadd.s32 $0x100, s1;
	s2 =	ssub.s32 s2, s8;
	s9 =	sand.u32 $0x1E00, s7  }
0x7: {  	s28 =	sshrl.u32 s4, $0x3;
	s31 =	smax.u32 s2, $0x1;
	s26 =	sor.u32 s6, s9  }
0x8: {  	s6 =	sor.u32 s6, s7;
	s7 =	smul.u32 $0x300, s28;
	s8 =	sshrl.u32 s26, $0x3  }
0x9: {  	_ =	strace $0x80000047;
	[dreg:$0xb] =	wrdreg s31;
	s8 =	sadd.s32 s0, s8  }
0xa: {  	s6 =	sshrl.u32 s6, $0x3;
	s30 =	sadd.s32 s3, s7;
	[dreg:$0x6] =	wrdreg s8  }
0xb: {  	s29 =	sor.u32 $0x20, s6;
	s8 =	sadd.s32 $0x10, s8;
	[dreg:$0xa] =	wrdreg s30  }
0xc: {  	v2 =	vlaneseq.u32;
	s6 =	sor.u32 $0x30, s6;
	[dreg:$0x7] =	wrdreg s8;
	s8 =	sadd.s32 s0, s29  }
0xd: {  	vm0 =	vmmov $0xffff;
	s12 =	sadd.s32 $0x200, s1;
	v1 =	vshrl.u32 v2, $0x3;
	s0 =	sadd.s32 s0, s6;
	[dreg:$0x8] =	wrdreg s8  }
0xe: {  	v0 =	vand.u32 $0x7, v2;
	v2 =	vor.u32 $0x8, v2;
	v1 =	vmul.u32 $0x8, v1;
	s6 =	simm.s32 $0x0;
	[dreg:$0x9] =	wrdreg s0;
	s0 =	simm.s32 $0x3  }
.LBB2_1:
0xf: {  	[dreg:$0xc] =	wrdreg s6  }
0x10: {  	s2 =	rddreg [dreg:$0x6]  }
0x11: {  	[tilespmem:s5], [sflag:$0x1] =	stream.linear.gather [hbm4b:s2+s5], $0x40, $0x38;
	[tilespmem:$0x18100] =	vst v63  }
0x12: {  	s8 =	rddreg [dreg:$0x7];
	s3 =	simm.s32 $0x40  }
0x13: {  	[tilespmem:s3], [sflag:$0x1] =	stream.linear.gather [hbm4b:s8+s5], $0x40, $0x38;
	[tilespmem:$0x18100] =	vst v63  }
0x14: {  	s9 =	rddreg [dreg:$0x8];
	s10 =	simm.s32 $0x80  }
0x15: {  	[tilespmem:s10], [sflag:$0x1] =	stream.linear.gather [hbm4b:s9+s5], $0x40, $0x38;
	[tilespmem:$0x18100] =	vst v63  }
0x16: {  	s13 =	rddreg [dreg:$0x9];
	s14 =	simm.s32 $0xC0  }
0x17: {  	[tilespmem:s14], [sflag:$0x1] =	stream.linear.gather [hbm4b:s13+s5], $0x40, $0x38;
	[tilespmem:$0x18100] =	vst v63  }
0x18: {  	s15 =	rddreg [dreg:$0xa];
	s16 =	simm.s32 $0x100;
	s17 =	simm.s32 $0x1  }
0x19: {  	[tilespmem:s16], [sflag:$0x2] =	stream.linear.gather [hbm4b:s15+s5], $0xC000, $0x38;
	[tilespmem:$0x18100] =	vst v63  }
0x1a: {  	_ =	swait.ge [sflag:s17], $0x40  }
0x1b: {  	[sflag:s17] =	ssyncset.done $0x0  }
0x1c: {  	[sflag:s17] =	ssyncadd.s32 $0xFFFFFFC0  }
0x1d: {  	_ =	swait.ge [sflag:s17], $0x40  }
0x1e: {  	[sflag:s17] =	ssyncset.done $0x0  }
0x1f: {  	[sflag:s17] =	ssyncadd.s32 $0xFFFFFFC0  }
0x20: {  	_ =	swait.ge [sflag:s17], $0x40  }
0x21: {  	[sflag:s17] =	ssyncset.done $0x0  }
0x22: {  	[sflag:s17] =	ssyncadd.s32 $0xFFFFFFC0  }
0x23: {  	_ =	swait.ge [sflag:s17], $0x40  }
0x24: {  	[sflag:s17] =	ssyncset.done $0x0  }
0x25: {  	[sflag:s17] =	ssyncadd.s32 $0xFFFFFFC0  }
0x26: {  	v3 =	vld [tilespmem:$0x0];
	_ =	sdelay $0x4  }
0x27: {  	v4 =	vshrl.u32 v3, $0x3  }
0x28: {  	v4 =	vmul.u32 $0x30, v4  }
0x29: {  	v3 =	vand.u32 $0x7, v3  }
0x2a: {  	v3 =	vor.u32 v3, v4  }
0x2b: {  	v4 =	vperm.xlane v3, v0;
	_ =	sdelay $0x1  }
0x2c: {  	v4 =	vadd.s32 v1, v4;
	_ =	sdelay $0x3  }
0x2d: {  	s18 =	simm.s32 $0xC100;
	v3 =	vperm.xlane v3, v2  }
0x2e: {  	[tilespmem:s18], [sflag:$0x3] =	stream.indirect_vreg.gather [hbm4b:s1+s5], $0x80, v4, vm0, $0xb8;
	[tilespmem:$0x18100] =	vst v63  }
0x2f: {  	s19 =	simm.s32 $0xC900;
	v3 =	vadd.s32 v1, v3  }
0x30: {  	[tilespmem:s19], [sflag:$0x3] =	stream.indirect_vreg.gather [hbm4b:s11+s5], $0x80, v4, vm0, $0xb8;
	[tilespmem:$0x18100] =	vst v63  }
0x31: {  	s20 =	simm.s32 $0xD100  }
0x32: {  	[tilespmem:s20], [sflag:$0x3] =	stream.indirect_vreg.gather [hbm4b:s12+s5], $0x80, v4, vm0, $0xb8;
	[tilespmem:$0x18100] =	vst v63  }
0x33: {  	s21 =	simm.s32 $0xD900  }
0x34: {  	[tilespmem:s21], [sflag:$0x3] =	stream.indirect_vreg.gather [hbm4b:s1+s5], $0x80, v3, vm0, $0xb8;
	[tilespmem:$0x18100] =	vst v63  }
0x35: {  	s22 =	simm.s32 $0xE100  }
0x36: {  	[tilespmem:s22], [sflag:$0x3] =	stream.indirect_vreg.gather [hbm4b:s11+s5], $0x80, v3, vm0, $0xb8;
	[tilespmem:$0x18100] =	vst v63  }
0x37: {  	s23 =	simm.s32 $0xE900  }
0x38: {  	[tilespmem:s23], [sflag:$0x3] =	stream.indirect_vreg.gather [hbm4b:s12+s5], $0x80, v3, vm0, $0xb8;
	[tilespmem:$0x18100] =	vst v63  }
0x39: {  	v3 =	vld [tilespmem:$0x10];
	_ =	sdelay $0x4  }
0x3a: {  	v63 =	vshrl.u32 v3, $0x3  }
0x3b: {  	v4 =	vmul.u32 $0x30, v63  }
0x3c: {  	v3 =	vand.u32 $0x7, v3  }
0x3d: {  	v3 =	vor.u32 v3, v4  }
0x3e: {  	v4 =	vperm.xlane v3, v0;
	_ =	sdelay $0x1  }
0x3f: {  	v4 =	vadd.s32 v1, v4;
	_ =	sdelay $0x3  }
0x40: {  	s24 =	simm.s32 $0xF100;
	v3 =	vperm.xlane v3, v2  }
0x41: {  	[tilespmem:s24], [sflag:$0x3] =	stream.indirect_vreg.gather [hbm4b:s1+s5], $0x80, v4, vm0, $0xb8;
	[tilespmem:$0x18100] =	vst v63  }
0x42: {  	s25 =	simm.s32 $0xF900;
	v3 =	vadd.s32 v1, v3  }
0x43: {  	[tilespmem:s25], [sflag:$0x3] =	stream.indirect_vreg.gather [hbm4b:s11+s5], $0x80, v4, vm0, $0xb8;
	[tilespmem:$0x18100] =	vst v63  }
0x44: {  	s26 =	simm.s32 $0x10100  }
0x45: {  	[tilespmem:s26], [sflag:$0x3] =	stream.indirect_vreg.gather [hbm4b:s12+s5], $0x80, v4, vm0, $0xb8;
	[tilespmem:$0x18100] =	vst v63  }
0x46: {  	s28 =	simm.s32 $0x10900  }
0x47: {  	[tilespmem:s28], [sflag:$0x3] =	stream.indirect_vreg.gather [hbm4b:s1+s5], $0x80, v3, vm0, $0xb8;
	[tilespmem:$0x18100] =	vst v63  }
0x48: {  	s29 =	simm.s32 $0x11100  }
0x49: {  	[tilespmem:s29], [sflag:$0x3] =	stream.indirect_vreg.gather [hbm4b:s11+s5], $0x80, v3, vm0, $0xb8;
	[tilespmem:$0x18100] =	vst v63  }
0x4a: {  	s30 =	simm.s32 $0x11900;
	s31 =	simm.s32 $0x2  }
0x4b: {  	[tilespmem:s30], [sflag:$0x3] =	stream.indirect_vreg.gather [hbm4b:s12+s5], $0x80, v3, vm0, $0xb8;
	[tilespmem:$0x18100] =	vst v63  }
0x4c: {  	_ =	swait.ge [sflag:s31], $0xC000  }
0x4d: {  	[sflag:s31] =	ssyncset.done $0x0  }
0x4e: {  	s16 =	simm.s32 $0x0;
	s17 =	simm.s32 $0x0;
	[sflag:s31] =	ssyncadd.s32 $0xFFFF4000  }
.LBB2_2:
0x4f: {  	p0 =	sgt.u32 s17, $0xD  }
0x50: {  	s2 =	sand.u32 $0x3, s16;
	p1 =	slt.u32 @!p0 s17, $0x2  }
0x51: {  	s2 =	sshll.u32 s2, $0x4;
	p1 =	por p1, p0  }
0x52: {  	[dreg:$0x5] =	wrdreg s2;
	s2 =	simm.s32 @!p1 $0x4  }
0x53: {  	s3 =	sadd.s32 $0x2, s17;
	_ =	swait.ge @!p1 [sflag:s2], $0x3000  }
0x54: {  	s6 =	sshll.u32 @!p0 s3, $0x4;
	[sflag:s2] =	ssyncset.done @!p1 $0x0  }
0x55: {  	[sflag:s2] =	ssyncadd.s32 @!p1 $0xFFFFD000;
	s2 =	sand.u32 @!p0 $0x3FFFFFF0, s6  }
0x56: {  	v3 =	vld @!p0 [tilespmem:s2+$0x0];
	_ =	sdelay $0x4  }
0x57: {  	v4 =	vshrl.u32 @!p0 v3, $0x3  }
0x58: {  	v4 =	vmul.u32 @!p0 $0x30, v4  }
0x59: {  	v5 =	vlaneseq.u32 @!p0;
	v3 =	vand.u32 @!p0 $0x7, v3  }
0x5a: {  	v6 =	vshrl.u32 @!p0 v5, $0x3;
	v3 =	vor.u32 @!p0 v3, v4;
	v4 =	vand.u32 @!p0 $0x7, v5  }
0x5b: {  	v6 =	vmul.u32 @!p0 $0x8, v6;
	v4 =	vperm.xlane @!p0 v3, v4;
	_ =	sdelay $0x1  }
0x5c: {  	s2 =	sand.u32 @!p0 $0x3, s3;
	v4 =	vadd.s32 @!p0 v6, v4  }
0x5d: {  	s2 =	smul.u32 @!p0 $0xC000, s2;
	_ =	sdelay $0x1  }
0x5e: {  	s2 =	sshrl.u32 @!p0 s2, $0x2;
	v5 =	vor.u32 @!p0 $0x8, v5  }
0x5f: {  	vm1 =	vmmov @!p0 $0xffff;
	s6 =	simm.s32 @!p0 $0x0;
	s3 =	sadd.s32 @!p0 $0xC100, s2;
	v3 =	vperm.xlane @!p0 v3, v5  }
0x60: {  	[tilespmem:s3], [sflag:$0x3] =	stream.indirect_vreg.gather @!p0 [hbm4b:s1+s6], $0x80, v4, vm1, $0xb8;
	[tilespmem:$0x18100] =	vst v63  }
0x61: {  	v3 =	vadd.s32 @!p0 v6, v3;
	s3 =	sadd.s32 @!p0 $0xC900, s2  }
0x62: {  	[tilespmem:s3], [sflag:$0x3] =	stream.indirect_vreg.gather @!p0 [hbm4b:s11+s6], $0x80, v4, vm1, $0xb8;
	[tilespmem:$0x18100] =	vst v63  }
0x63: {  	s3 =	sadd.s32 @!p0 $0xD100, s2  }
0x64: {  	[tilespmem:s3], [sflag:$0x3] =	stream.indirect_vreg.gather @!p0 [hbm4b:s12+s6], $0x80, v4, vm1, $0xb8;
	[tilespmem:$0x18100] =	vst v63  }
0x65: {  	s3 =	sadd.s32 @!p0 $0xD900, s2  }
0x66: {  	[tilespmem:s3], [sflag:$0x3] =	stream.indirect_vreg.gather @!p0 [hbm4b:s1+s6], $0x80, v3, vm1, $0xb8;
	[tilespmem:$0x18100] =	vst v63  }
0x67: {  	s3 =	sadd.s32 @!p0 $0xE100, s2  }
0x68: {  	[tilespmem:s3], [sflag:$0x3] =	stream.indirect_vreg.gather @!p0 [hbm4b:s11+s6], $0x80, v3, vm1, $0xb8;
	[tilespmem:$0x18100] =	vst v63  }
0x69: {  	s2 =	sadd.s32 @!p0 $0xE900, s2  }
0x6a: {  	[tilespmem:s2], [sflag:$0x3] =	stream.indirect_vreg.gather @!p0 [hbm4b:s12+s6], $0x80, v3, vm1, $0xb8;
	[tilespmem:$0x18100] =	vst v63  }
0x6b: {  	_ =	swait.ge [sflag:s0], $0x3000  }
0x6c: {  	s13 =	rddreg [dreg:$0x5]  }
0x6d: {  	s2 =	sadd.s32 $0x0, s13  }
0x6e: {  	s2 =	sshrl.u32 s2, $0x3  }
0x6f: {  	s2 =	smul.u32 $0x6000, s2  }
0x70: {  	s25 =	sand.u32 $0x3, s17;
	s14 =	simm.s32 $0x0  }
0x71: {  	s15 =	simm.s32 $0x0;
	s29 =	sand.u32 $0x300, s14;
	s26 =	sshra.s32 s2, $0x2  }
0x72: {  	s28 =	sor.u32 $0x80, s29;
	[sflag:s0] =	ssyncset.done $0x0;
	s18 =	sor.u32 $0x100, s26  }
0x73: {  	s20 =	smul.u32 $0x6000, s15;
	[sflag:s0] =	ssyncadd.s32 $0xFFFFD000;
	s21 =	sadd.s32 s28, s18  }
0x74: {  	s19 =	smul.u32 $0x3000, s25;
	s3 =	sadd.s32 s29, s18;
	v3 =	vld [tilespmem:s21+$0x0]  }
0x75: {  	s6 =	sshra.s32 s20, $0x2;
	v4 =	vld [tilespmem:s3+$0x0]  }
0x76: {  	s7 =	sadd.s32 s19, s6  }
0x77: {  	s6 =	sadd.s32 $0xC100, s7  }
0x78: {  	s8 =	sadd.s32 s28, s6  }
0x79: {  	s6 =	sadd.s32 s29, s6;
	[tilespmem:s8+$0x0] =	vst.add.f32.msk $0xffff, v3  }
0x7a: {  	[tilespmem:s6+$0x0] =	vst.add.f32.msk $0xffff, v4  }
0x7b: {  	v3 =	vld [tilespmem:s21+$0x10]  }
0x7c: {  	v4 =	vld [tilespmem:s3+$0x10];
	_ =	sdelay $0x3  }
0x7d: {  	[tilespmem:s8+$0x10] =	vst.add.f32.msk $0xffff, v3  }
0x7e: {  	[tilespmem:s6+$0x10] =	vst.add.f32.msk $0xffff, v4  }
0x7f: {  	v3 =	vld [tilespmem:s21+$0x20]  }
0x80: {  	v4 =	vld [tilespmem:s3+$0x20];
	_ =	sdelay $0x3  }
0x81: {  	[tilespmem:s8+$0x20] =	vst.add.f32.msk $0xffff, v3  }
0x82: {  	[tilespmem:s6+$0x20] =	vst.add.f32.msk $0xffff, v4  }
0x83: {  	v3 =	vld [tilespmem:s21+$0x30]  }
0x84: {  	v4 =	vld [tilespmem:s3+$0x30];
	_ =	sdelay $0x3  }
0x85: {  	[tilespmem:s8+$0x30] =	vst.add.f32.msk $0xffff, v3  }
0x86: {  	[tilespmem:s6+$0x30] =	vst.add.f32.msk $0xffff, v4  }
0x87: {  	v3 =	vld [tilespmem:s21+$0x40]  }
0x88: {  	v4 =	vld [tilespmem:s3+$0x40];
	_ =	sdelay $0x3  }
0x89: {  	[tilespmem:s8+$0x40] =	vst.add.f32.msk $0xffff, v3  }
0x8a: {  	[tilespmem:s6+$0x40] =	vst.add.f32.msk $0xffff, v4  }
0x8b: {  	v3 =	vld [tilespmem:s21+$0x50]  }
0x8c: {  	v4 =	vld [tilespmem:s3+$0x50];
	_ =	sdelay $0x3  }
0x8d: {  	[tilespmem:s8+$0x50] =	vst.add.f32.msk $0xffff, v3  }
0x8e: {  	[tilespmem:s6+$0x50] =	vst.add.f32.msk $0xffff, v4  }
0x8f: {  	v3 =	vld [tilespmem:s21+$0x60]  }
0x90: {  	v4 =	vld [tilespmem:s3+$0x60];
	_ =	sdelay $0x3  }
0x91: {  	[tilespmem:s8+$0x60] =	vst.add.f32.msk $0xffff, v3  }
0x92: {  	[tilespmem:s6+$0x60] =	vst.add.f32.msk $0xffff, v4  }
0x93: {  	v3 =	vld [tilespmem:s21+$0x70]  }
0x94: {  	v4 =	vld [tilespmem:s3+$0x70];
	_ =	sdelay $0x3  }
0x95: {  	[tilespmem:s8+$0x70] =	vst.add.f32.msk $0xffff, v3  }
0x96: {  	[tilespmem:s6+$0x70] =	vst.add.f32.msk $0xffff, v4  }
0x97: {  	v3 =	vld [tilespmem:s21+$0x400]  }
0x98: {  	v4 =	vld [tilespmem:s3+$0x400];
	_ =	sdelay $0x3  }
0x99: {  	[tilespmem:s8+$0x400] =	vst.add.f32.msk $0xffff, v3  }
0x9a: {  	[tilespmem:s6+$0x400] =	vst.add.f32.msk $0xffff, v4  }
0x9b: {  	v3 =	vld [tilespmem:s21+$0x410]  }
0x9c: {  	v4 =	vld [tilespmem:s3+$0x410];
	_ =	sdelay $0x3  }
0x9d: {  	[tilespmem:s8+$0x410] =	vst.add.f32.msk $0xffff, v3  }
0x9e: {  	[tilespmem:s6+$0x410] =	vst.add.f32.msk $0xffff, v4  }
0x9f: {  	v3 =	vld [tilespmem:s21+$0x420]  }
0xa0: {  	v4 =	vld [tilespmem:s3+$0x420];
	_ =	sdelay $0x3  }
0xa1: {  	[tilespmem:s8+$0x420] =	vst.add.f32.msk $0xffff, v3  }
0xa2: {  	[tilespmem:s6+$0x420] =	vst.add.f32.msk $0xffff, v4  }
0xa3: {  	v3 =	vld [tilespmem:s21+$0x430]  }
0xa4: {  	v4 =	vld [tilespmem:s3+$0x430];
	_ =	sdelay $0x3  }
0xa5: {  	[tilespmem:s8+$0x430] =	vst.add.f32.msk $0xffff, v3  }
0xa6: {  	[tilespmem:s6+$0x430] =	vst.add.f32.msk $0xffff, v4  }
0xa7: {  	v3 =	vld [tilespmem:s21+$0x440]  }
0xa8: {  	v4 =	vld [tilespmem:s3+$0x440];
	_ =	sdelay $0x3  }
0xa9: {  	[tilespmem:s8+$0x440] =	vst.add.f32.msk $0xffff, v3  }
0xaa: {  	[tilespmem:s6+$0x440] =	vst.add.f32.msk $0xffff, v4  }
0xab: {  	v3 =	vld [tilespmem:s21+$0x450]  }
0xac: {  	v4 =	vld [tilespmem:s3+$0x450];
	_ =	sdelay $0x3  }
0xad: {  	[tilespmem:s8+$0x450] =	vst.add.f32.msk $0xffff, v3  }
0xae: {  	[tilespmem:s6+$0x450] =	vst.add.f32.msk $0xffff, v4  }
0xaf: {  	v3 =	vld [tilespmem:s21+$0x460]  }
0xb0: {  	v4 =	vld [tilespmem:s3+$0x460];
	_ =	sdelay $0x3  }
0xb1: {  	[tilespmem:s8+$0x460] =	vst.add.f32.msk $0xffff, v3  }
0xb2: {  	[tilespmem:s6+$0x460] =	vst.add.f32.msk $0xffff, v4  }
0xb3: {  	v3 =	vld [tilespmem:s21+$0x470]  }
0xb4: {  	v4 =	vld [tilespmem:s3+$0x470];
	_ =	sdelay $0x3  }
0xb5: {  	s22 =	sadd.s32 $0x900, s26;
	[tilespmem:s8+$0x470] =	vst.add.f32.msk $0xffff, v3  }
0xb6: {  	s23 =	sadd.s32 s28, s22;
	[tilespmem:s6+$0x470] =	vst.add.f32.msk $0xffff, v4  }
0xb7: {  	s2 =	sadd.s32 s29, s22;
	v3 =	vld [tilespmem:s23+$0x0]  }
0xb8: {  	v4 =	vld [tilespmem:s2+$0x0];
	_ =	sdelay $0x1  }
0xb9: {  	s24 =	sadd.s32 $0xC900, s7  }
0xba: {  	s30 =	sadd.s32 s28, s24  }
0xbb: {  	s6 =	sadd.s32 s29, s24;
	[tilespmem:s30+$0x0] =	vst.add.f32.msk $0xffff, v3  }
0xbc: {  	[tilespmem:s6+$0x0] =	vst.add.f32.msk $0xffff, v4  }
0xbd: {  	v3 =	vld [tilespmem:s23+$0x10]  }
0xbe: {  	v4 =	vld [tilespmem:s2+$0x10];
	_ =	sdelay $0x3  }
0xbf: {  	[tilespmem:s30+$0x10] =	vst.add.f32.msk $0xffff, v3  }
0xc0: {  	[tilespmem:s6+$0x10] =	vst.add.f32.msk $0xffff, v4  }
0xc1: {  	v3 =	vld [tilespmem:s23+$0x20]  }
0xc2: {  	v4 =	vld [tilespmem:s2+$0x20];
	_ =	sdelay $0x3  }
0xc3: {  	[tilespmem:s30+$0x20] =	vst.add.f32.msk $0xffff, v3  }
0xc4: {  	[tilespmem:s6+$0x20] =	vst.add.f32.msk $0xffff, v4  }
0xc5: {  	v3 =	vld [tilespmem:s23+$0x30]  }
0xc6: {  	v4 =	vld [tilespmem:s2+$0x30];
	_ =	sdelay $0x3  }
0xc7: {  	[tilespmem:s30+$0x30] =	vst.add.f32.msk $0xffff, v3  }
0xc8: {  	[tilespmem:s6+$0x30] =	vst.add.f32.msk $0xffff, v4  }
0xc9: {  	v3 =	vld [tilespmem:s23+$0x40]  }
0xca: {  	v4 =	vld [tilespmem:s2+$0x40];
	_ =	sdelay $0x3  }
0xcb: {  	[tilespmem:s30+$0x40] =	vst.add.f32.msk $0xffff, v3  }
0xcc: {  	[tilespmem:s6+$0x40] =	vst.add.f32.msk $0xffff, v4  }
0xcd: {  	v3 =	vld [tilespmem:s23+$0x50]  }
0xce: {  	v4 =	vld [tilespmem:s2+$0x50];
	_ =	sdelay $0x3  }
0xcf: {  	[tilespmem:s30+$0x50] =	vst.add.f32.msk $0xffff, v3  }
0xd0: {  	[tilespmem:s6+$0x50] =	vst.add.f32.msk $0xffff, v4  }
0xd1: {  	v3 =	vld [tilespmem:s23+$0x60]  }
0xd2: {  	v4 =	vld [tilespmem:s2+$0x60];
	_ =	sdelay $0x3  }
0xd3: {  	[tilespmem:s30+$0x60] =	vst.add.f32.msk $0xffff, v3  }
0xd4: {  	[tilespmem:s6+$0x60] =	vst.add.f32.msk $0xffff, v4  }
0xd5: {  	v3 =	vld [tilespmem:s23+$0x70]  }
0xd6: {  	v4 =	vld [tilespmem:s2+$0x70];
	_ =	sdelay $0x3  }
0xd7: {  	s3 =	sadd.s32 $0xD00, s26;
	[tilespmem:s30+$0x70] =	vst.add.f32.msk $0xffff, v3  }
0xd8: {  	s13 =	sadd.s32 s28, s3;
	[tilespmem:s6+$0x70] =	vst.add.f32.msk $0xffff, v4  }
0xd9: {  	s10 =	sadd.s32 s29, s3;
	v3 =	vld [tilespmem:s13+$0x0]  }
0xda: {  	v4 =	vld [tilespmem:s10+$0x0];
	_ =	sdelay $0x1  }
0xdb: {  	s9 =	rddreg [dreg:$0x5];
	s8 =	sadd.s32 $0xCD00, s7  }
0xdc: {  	s15 =	sadd.s32 $0x2, s9;
	s14 =	sadd.s32 s28, s8  }
0xdd: {  	s3 =	sadd.s32 s29, s8;
	s2 =	sshrl.u32 s15, $0x3;
	[tilespmem:s14+$0x0] =	vst.add.f32.msk $0xffff, v3  }
0xde: {  	s2 =	smul.u32 $0x6000, s2;
	[tilespmem:s3+$0x0] =	vst.add.f32.msk $0xffff, v4  }
0xdf: {  	s18 =	simm.s32 $0x0;
	v3 =	vld [tilespmem:s13+$0x10]  }
0xe0: {  	s24 =	simm.s32 $0x100;
	s22 =	sshra.s32 s2, $0x2;
	s2 =	smul.u32 $0x6000, s18;
	v4 =	vld [tilespmem:s10+$0x10]  }
0xe1: {  	s20 =	sand.u32 $0x300, s24;
	s23 =	sor.u32 $0x100, s22  }
0xe2: {  	s9 =	sshra.s32 s2, $0x2;
	s2 =	sadd.s32 s20, s23  }
0xe3: {  	v6 =	vld [tilespmem:s2+$0x0]  }
0xe4: {  	s21 =	sor.u32 $0x80, s20;
	[tilespmem:s14+$0x10] =	vst.add.f32.msk $0xffff, v3  }
0xe5: {  	s8 =	sadd.s32 s21, s23;
	[tilespmem:s3+$0x10] =	vst.add.f32.msk $0xffff, v4  }
0xe6: {  	s23 =	sadd.s32 s19, s9;
	v4 =	vld [tilespmem:s8+$0x0]  }
0xe7: {  	s30 =	sadd.s32 $0xC100, s23;
	v3 =	vld [tilespmem:s13+$0x20]  }
0xe8: {  	s6 =	sadd.s32 s20, s30  }
0xe9: {  	[tilespmem:s6+$0x0] =	vst.add.f32.msk $0xffff, v6  }
0xea: {  	s9 =	sadd.s32 s21, s30;
	v6 =	vld [tilespmem:s2+$0x10]  }
0xeb: {  	[tilespmem:s9+$0x0] =	vst.add.f32.msk $0xffff, v4  }
0xec: {  	[tilespmem:s14+$0x20] =	vst.add.f32.msk $0xffff, v3  }
0xed: {  	v4 =	vld [tilespmem:s8+$0x10]  }
0xee: {  	v3 =	vld [tilespmem:s13+$0x30]  }
0xef: {  	[tilespmem:s6+$0x10] =	vst.add.f32.msk $0xffff, v6  }
0xf0: {  	v5 =	vld [tilespmem:s10+$0x20]  }
0xf1: {  	v6 =	vld [tilespmem:s2+$0x20]  }
0xf2: {  	[tilespmem:s9+$0x10] =	vst.add.f32.msk $0xffff, v4  }
0xf3: {  	[tilespmem:s14+$0x30] =	vst.add.f32.msk $0xffff, v3  }
0xf4: {  	v3 =	vld [tilespmem:s8+$0x20]  }
0xf5: {  	[tilespmem:s3+$0x20] =	vst.add.f32.msk $0xffff, v5  }
0xf6: {  	[tilespmem:s6+$0x20] =	vst.add.f32.msk $0xffff, v6  }
0xf7: {  	v4 =	vld [tilespmem:s10+$0x30]  }
0xf8: {  	v5 =	vld [tilespmem:s13+$0x40]  }
0xf9: {  	[tilespmem:s9+$0x20] =	vst.add.f32.msk $0xffff, v3  }
0xfa: {  	v3 =	vld [tilespmem:s8+$0x30]  }
0xfb: {  	v6 =	vld [tilespmem:s2+$0x30]  }
0xfc: {  	[tilespmem:s3+$0x30] =	vst.add.f32.msk $0xffff, v4  }
0xfd: {  	[tilespmem:s14+$0x40] =	vst.add.f32.msk $0xffff, v5  }
0xfe: {  	v4 =	vld [tilespmem:s13+$0x50]  }
0xff: {  	[tilespmem:s9+$0x30] =	vst.add.f32.msk $0xffff, v3  }
0x100: {  	v3 =	vld [tilespmem:s10+$0x40]  }
0x101: {  	[tilespmem:s6+$0x30] =	vst.add.f32.msk $0xffff, v6  }
0x102: {  	v5 =	vld [tilespmem:s8+$0x40]  }
0x103: {  	[tilespmem:s14+$0x50] =	vst.add.f32.msk $0xffff, v4  }
0x104: {  	v4 =	vld [tilespmem:s13+$0x60]  }
0x105: {  	[tilespmem:s3+$0x40] =	vst.add.f32.msk $0xffff, v3  }
0x106: {  	v3 =	vld [tilespmem:s10+$0x50]  }
0x107: {  	[tilespmem:s9+$0x40] =	vst.add.f32.msk $0xffff, v5  }
0x108: {  	v5 =	vld [tilespmem:s8+$0x50]  }
0x109: {  	[tilespmem:s14+$0x60] =	vst.add.f32.msk $0xffff, v4  }
0x10a: {  	v4 =	vld [tilespmem:s13+$0x70]  }
0x10b: {  	[tilespmem:s3+$0x50] =	vst.add.f32.msk $0xffff, v3  }
0x10c: {  	v3 =	vld [tilespmem:s10+$0x60]  }
0x10d: {  	[tilespmem:s9+$0x50] =	vst.add.f32.msk $0xffff, v5  }
0x10e: {  	v5 =	vld [tilespmem:s8+$0x60]  }
0x10f: {  	[tilespmem:s14+$0x70] =	vst.add.f32.msk $0xffff, v4;
	s14 =	sadd.s32 $0x1100, s26  }
0x110: {  	v6 =	vld [tilespmem:s2+$0x40];
	s15 =	sadd.s32 s28, s14  }
0x111: {  	v4 =	vld [tilespmem:s15+$0x0]  }
0x112: {  	[tilespmem:s3+$0x60] =	vst.add.f32.msk $0xffff, v3  }
0x113: {  	v3 =	vld [tilespmem:s10+$0x70]  }
0x114: {  	[tilespmem:s9+$0x60] =	vst.add.f32.msk $0xffff, v5  }
0x115: {  	s18 =	sadd.s32 $0xD100, s7;
	v5 =	vld [tilespmem:s8+$0x70]  }
0x116: {  	s30 =	sadd.s32 s28, s18;
	[tilespmem:s6+$0x40] =	vst.add.f32.msk $0xffff, v6  }
0x117: {  	[tilespmem:s30+$0x0] =	vst.add.f32.msk $0xffff, v4  }
0x118: {  	[tilespmem:s3+$0x70] =	vst.add.f32.msk $0xffff, v3  }
0x119: {  	v3 =	vld [tilespmem:s15+$0x10]  }
0x11a: {  	[tilespmem:s9+$0x70] =	vst.add.f32.msk $0xffff, v5  }
0x11b: {  	v5 =	vld [tilespmem:s2+$0x50]  }
0x11c: {  	v4 =	vld [tilespmem:s8+$0x400];
	_ =	sdelay $0x1  }
0x11d: {  	[tilespmem:s30+$0x10] =	vst.add.f32.msk $0xffff, v3  }
0x11e: {  	v3 =	vld [tilespmem:s15+$0x20]  }
0x11f: {  	[tilespmem:s6+$0x50] =	vst.add.f32.msk $0xffff, v5  }
0x120: {  	[tilespmem:s9+$0x400] =	vst.add.f32.msk $0xffff, v4  }
0x121: {  	v5 =	vld [tilespmem:s2+$0x60]  }
0x122: {  	v4 =	vld [tilespmem:s8+$0x410];
	_ =	sdelay $0x1  }
0x123: {  	[tilespmem:s30+$0x20] =	vst.add.f32.msk $0xffff, v3  }
0x124: {  	v3 =	vld [tilespmem:s15+$0x30]  }
0x125: {  	[tilespmem:s6+$0x60] =	vst.add.f32.msk $0xffff, v5  }
0x126: {  	[tilespmem:s9+$0x410] =	vst.add.f32.msk $0xffff, v4  }
0x127: {  	v5 =	vld [tilespmem:s2+$0x70]  }
0x128: {  	v4 =	vld [tilespmem:s8+$0x420];
	_ =	sdelay $0x1  }
0x129: {  	[tilespmem:s30+$0x30] =	vst.add.f32.msk $0xffff, v3  }
0x12a: {  	v3 =	vld [tilespmem:s15+$0x40]  }
0x12b: {  	[tilespmem:s6+$0x70] =	vst.add.f32.msk $0xffff, v5  }
0x12c: {  	[tilespmem:s9+$0x420] =	vst.add.f32.msk $0xffff, v4  }
0x12d: {  	v5 =	vld [tilespmem:s2+$0x400]  }
0x12e: {  	v4 =	vld [tilespmem:s8+$0x430];
	_ =	sdelay $0x1  }
0x12f: {  	[tilespmem:s30+$0x40] =	vst.add.f32.msk $0xffff, v3  }
0x130: {  	v3 =	vld [tilespmem:s15+$0x50]  }
0x131: {  	[tilespmem:s6+$0x400] =	vst.add.f32.msk $0xffff, v5  }
0x132: {  	[tilespmem:s9+$0x430] =	vst.add.f32.msk $0xffff, v4  }
0x133: {  	v5 =	vld [tilespmem:s2+$0x410]  }
0x134: {  	v4 =	vld [tilespmem:s8+$0x440]  }
0x135: {  	s13 =	sadd.s32 s29, s14;
	[tilespmem:s30+$0x50] =	vst.add.f32.msk $0xffff, v3  }
0x136: {  	v3 =	vld [tilespmem:s13+$0x0]  }
0x137: {  	v6 =	vld [tilespmem:s15+$0x60]  }
0x138: {  	[tilespmem:s6+$0x410] =	vst.add.f32.msk $0xffff, v5  }
0x139: {  	[tilespmem:s9+$0x440] =	vst.add.f32.msk $0xffff, v4  }
0x13a: {  	v4 =	vld [tilespmem:s2+$0x420]  }
0x13b: {  	s10 =	sadd.s32 s29, s18;
	v5 =	vld [tilespmem:s8+$0x450]  }
0x13c: {  	[tilespmem:s10+$0x0] =	vst.add.f32.msk $0xffff, v3  }
0x13d: {  	v3 =	vld [tilespmem:s13+$0x10]  }
0x13e: {  	[tilespmem:s30+$0x60] =	vst.add.f32.msk $0xffff, v6  }
0x13f: {  	[tilespmem:s6+$0x420] =	vst.add.f32.msk $0xffff, v4  }
0x140: {  	v6 =	vld [tilespmem:s15+$0x70]  }
0x141: {  	v4 =	vld [tilespmem:s2+$0x430]  }
0x142: {  	[tilespmem:s9+$0x450] =	vst.add.f32.msk $0xffff, v5  }
0x143: {  	[tilespmem:s10+$0x10] =	vst.add.f32.msk $0xffff, v3  }
0x144: {  	v3 =	vld [tilespmem:s13+$0x20]  }
0x145: {  	v5 =	vld [tilespmem:s8+$0x460]  }
0x146: {  	[tilespmem:s30+$0x70] =	vst.add.f32.msk $0xffff, v6  }
0x147: {  	[tilespmem:s6+$0x430] =	vst.add.f32.msk $0xffff, v4  }
0x148: {  	v4 =	vld [tilespmem:s2+$0x440]  }
0x149: {  	[tilespmem:s10+$0x20] =	vst.add.f32.msk $0xffff, v3  }
0x14a: {  	v3 =	vld [tilespmem:s13+$0x30]  }
0x14b: {  	[tilespmem:s9+$0x460] =	vst.add.f32.msk $0xffff, v5  }
0x14c: {  	v5 =	vld [tilespmem:s8+$0x470]  }
0x14d: {  	[tilespmem:s6+$0x440] =	vst.add.f32.msk $0xffff, v4  }
0x14e: {  	v4 =	vld [tilespmem:s2+$0x450]  }
0x14f: {  	[tilespmem:s10+$0x30] =	vst.add.f32.msk $0xffff, v3  }
0x150: {  	s14 =	sadd.s32 $0x900, s22;
	v3 =	vld [tilespmem:s13+$0x40]  }
0x151: {  	s8 =	sadd.s32 s21, s14;
	[tilespmem:s9+$0x470] =	vst.add.f32.msk $0xffff, v5  }
0x152: {  	v5 =	vld [tilespmem:s8+$0x0]  }
0x153: {  	[tilespmem:s6+$0x450] =	vst.add.f32.msk $0xffff, v4  }
0x154: {  	v4 =	vld [tilespmem:s2+$0x460]  }
0x155: {  	s18 =	sadd.s32 $0xC900, s23;
	[tilespmem:s10+$0x40] =	vst.add.f32.msk $0xffff, v3  }
0x156: {  	s9 =	sadd.s32 s21, s18;
	v3 =	vld [tilespmem:s13+$0x50]  }
0x157: {  	[tilespmem:s9+$0x0] =	vst.add.f32.msk $0xffff, v5  }
0x158: {  	v5 =	vld [tilespmem:s8+$0x10]  }
0x159: {  	[tilespmem:s6+$0x460] =	vst.add.f32.msk $0xffff, v4  }
0x15a: {  	v4 =	vld [tilespmem:s2+$0x470]  }
0x15b: {  	[tilespmem:s10+$0x50] =	vst.add.f32.msk $0xffff, v3  }
0x15c: {  	v3 =	vld [tilespmem:s13+$0x60]  }
0x15d: {  	[tilespmem:s9+$0x10] =	vst.add.f32.msk $0xffff, v5  }
0x15e: {  	s30 =	sadd.s32 $0x1500, s26;
	v5 =	vld [tilespmem:s8+$0x20]  }
0x15f: {  	s26 =	sadd.s32 s28, s30;
	[tilespmem:s6+$0x470] =	vst.add.f32.msk $0xffff, v4  }
0x160: {  	v4 =	vld [tilespmem:s26+$0x0]  }
0x161: {  	[tilespmem:s10+$0x60] =	vst.add.f32.msk $0xffff, v3  }
0x162: {  	v3 =	vld [tilespmem:s13+$0x70]  }
0x163: {  	s15 =	sadd.s32 $0xD500, s7;
	[tilespmem:s9+$0x20] =	vst.add.f32.msk $0xffff, v5  }
0x164: {  	s28 =	sadd.s32 s28, s15;
	v5 =	vld [tilespmem:s8+$0x30]  }
0x165: {  	[tilespmem:s28+$0x0] =	vst.add.f32.msk $0xffff, v4  }
0x166: {  	v4 =	vld [tilespmem:s26+$0x10]  }
0x167: {  	s3 =	sadd.s32 s20, s14;
	[tilespmem:s10+$0x70] =	vst.add.f32.msk $0xffff, v3  }
0x168: {  	v3 =	vld [tilespmem:s3+$0x0];
	_ =	sdelay $0x1  }
0x169: {  	[tilespmem:s9+$0x30] =	vst.add.f32.msk $0xffff, v5  }
0x16a: {  	v5 =	vld [tilespmem:s8+$0x40]  }
0x16b: {  	s18 =	sadd.s32 s20, s18;
	[tilespmem:s28+$0x10] =	vst.add.f32.msk $0xffff, v4  }
0x16c: {  	[tilespmem:s18+$0x0] =	vst.add.f32.msk $0xffff, v3  }
0x16d: {  	s31 =	sadd.s32 s29, s30;
	v3 =	vld [tilespmem:s3+$0x10]  }
0x16e: {  	v6 =	vld [tilespmem:s31+$0x0]  }
0x16f: {  	v4 =	vld [tilespmem:s26+$0x20]  }
0x170: {  	[tilespmem:s9+$0x40] =	vst.add.f32.msk $0xffff, v5  }
0x171: {  	v5 =	vld [tilespmem:s8+$0x50]  }
0x172: {  	[tilespmem:s18+$0x10] =	vst.add.f32.msk $0xffff, v3  }
0x173: {  	s7 =	sadd.s32 s29, s15;
	v3 =	vld [tilespmem:s3+$0x20]  }
0x174: {  	[tilespmem:s7+$0x0] =	vst.add.f32.msk $0xffff, v6  }
0x175: {  	[tilespmem:s28+$0x20] =	vst.add.f32.msk $0xffff, v4  }
0x176: {  	v4 =	vld [tilespmem:s26+$0x30]  }
0x177: {  	[tilespmem:s9+$0x50] =	vst.add.f32.msk $0xffff, v5  }
0x178: {  	[tilespmem:s18+$0x20] =	vst.add.f32.msk $0xffff, v3  }
0x179: {  	v3 =	vld [tilespmem:s3+$0x30]  }
0x17a: {  	v5 =	vld [tilespmem:s8+$0x60]  }
0x17b: {  	[tilespmem:s28+$0x30] =	vst.add.f32.msk $0xffff, v4  }
0x17c: {  	v4 =	vld [tilespmem:s31+$0x10];
	_ =	sdelay $0x1  }
0x17d: {  	[tilespmem:s18+$0x30] =	vst.add.f32.msk $0xffff, v3  }
0x17e: {  	v3 =	vld [tilespmem:s3+$0x40]  }
0x17f: {  	[tilespmem:s9+$0x60] =	vst.add.f32.msk $0xffff, v5  }
0x180: {  	[tilespmem:s7+$0x10] =	vst.add.f32.msk $0xffff, v4  }
0x181: {  	v4 =	vld [tilespmem:s31+$0x20]  }
0x182: {  	v5 =	vld [tilespmem:s8+$0x70]  }
0x183: {  	[tilespmem:s18+$0x40] =	vst.add.f32.msk $0xffff, v3  }
0x184: {  	v3 =	vld [tilespmem:s3+$0x50]  }
0x185: {  	v6 =	vld [tilespmem:s26+$0x40]  }
0x186: {  	[tilespmem:s7+$0x20] =	vst.add.f32.msk $0xffff, v4  }
0x187: {  	v4 =	vld [tilespmem:s31+$0x30]  }
0x188: {  	[tilespmem:s9+$0x70] =	vst.add.f32.msk $0xffff, v5  }
0x189: {  	s30 =	sadd.s32 $0xD00, s22;
	[tilespmem:s18+$0x50] =	vst.add.f32.msk $0xffff, v3  }
0x18a: {  	s14 =	sadd.s32 s21, s30;
	v3 =	vld [tilespmem:s3+$0x60]  }
0x18b: {  	v5 =	vld [tilespmem:s14+$0x0]  }
0x18c: {  	[tilespmem:s7+$0x30] =	vst.add.f32.msk $0xffff, v4  }
0x18d: {  	v4 =	vld [tilespmem:s31+$0x40]  }
0x18e: {  	[tilespmem:s28+$0x40] =	vst.add.f32.msk $0xffff, v6  }
0x18f: {  	s2 =	sadd.s32 $0xCD00, s23;
	[tilespmem:s18+$0x60] =	vst.add.f32.msk $0xffff, v3  }
0x190: {  	s15 =	sadd.s32 s21, s2;
	v6 =	vld [tilespmem:s3+$0x70]  }
0x191: {  	[tilespmem:s15+$0x0] =	vst.add.f32.msk $0xffff, v5  }
0x192: {  	[tilespmem:s7+$0x40] =	vst.add.f32.msk $0xffff, v4  }
0x193: {  	v4 =	vld [tilespmem:s31+$0x50]  }
0x194: {  	v3 =	vld [tilespmem:s26+$0x50]  }
0x195: {  	s8 =	sadd.s32 s20, s30;
	[tilespmem:s18+$0x70] =	vst.add.f32.msk $0xffff, v6  }
0x196: {  	s25 =	sshll.u32 s25, $0x4;
	s3 =	simm.s32 $0x4;
	v5 =	vld [tilespmem:s8+$0x0]  }
.LBB2_3:
0x197: {  	_ = 	snop  }
0x198: {  	v6 =	vld [tilespmem:s14+$0x10]  }
0x199: {  	[tilespmem:s7+$0x50] =	vst.add.f32.msk $0xffff, v4  }
0x19a: {  	s6 =	rddreg [dreg:$0x5];
	s10 =	smov.u32 s3;
	v4 =	vld [tilespmem:s31+$0x60]  }
0x19b: {  	s6 =	sadd.s32 s10, s6;
	s10 =	sadd.s32 s20, s2;
	[tilespmem:s28+$0x50] =	vst.add.f32.msk $0xffff, v3  }
0x19c: {  	[tilespmem:s10+$0x0] =	vst.add.f32.msk $0xffff, v5  }
0x19d: {  	v3 =	vld [tilespmem:s8+$0x10]  }
0x19e: {  	[tilespmem:s15+$0x10] =	vst.add.f32.msk $0xffff, v6  }
0x19f: {  	[tilespmem:s7+$0x60] =	vst.add.f32.msk $0xffff, v4  }
0x1a0: {  	s13 =	sshrl.u32 s6, $0x3;
	v4 =	vld [tilespmem:s31+$0x70]  }
0x1a1: {  	s2 =	smul.u32 $0x6000, s13;
	v5 =	vld [tilespmem:s14+$0x20]  }
0x1a2: {  	s24 =	sadd.s32 $0x100, s24;
	v6 =	vld [tilespmem:s26+$0x60]  }
0x1a3: {  	s30 =	sand.u32 $0x300, s24;
	s6 =	sshra.s32 s2, $0x2;
	[tilespmem:s10+$0x10] =	vst.add.f32.msk $0xffff, v3  }
0x1a4: {  	s9 =	sshrl.u32 s3, $0x3;
	s13 =	sor.u32 $0x80, s30;
	s2 =	sor.u32 $0x100, s6;
	v3 =	vld [tilespmem:s8+$0x20]  }
0x1a5: {  	s9 =	smul.u32 $0x6000, s9;
	s31 =	sadd.s32 s30, s2;
	s2 =	sadd.s32 s13, s2;
	[tilespmem:s7+$0x70] =	vst.add.f32.msk $0xffff, v4  }
0x1a6: {  	v4 =	vld [tilespmem:s2+$0x0]  }
0x1a7: {  	s9 =	sshra.s32 s9, $0x2;
	[tilespmem:s15+$0x20] =	vst.add.f32.msk $0xffff, v5  }
0x1a8: {  	s9 =	sadd.s32 s19, s9;
	v5 =	vld [tilespmem:s31+$0x0]  }
0x1a9: {  	s18 =	sadd.s32 $0xC100, s9;
	[tilespmem:s10+$0x20] =	vst.add.f32.msk $0xffff, v3  }
0x1aa: {  	s7 =	sadd.s32 s30, s18;
	s18 =	sadd.s32 s13, s18;
	v3 =	vld [tilespmem:s14+$0x30]  }
0x1ab: {  	[tilespmem:s18+$0x0] =	vst.add.f32.msk $0xffff, v4  }
0x1ac: {  	v4 =	vld [tilespmem:s2+$0x10]  }
0x1ad: {  	[tilespmem:s28+$0x60] =	vst.add.f32.msk $0xffff, v6  }
0x1ae: {  	[tilespmem:s7+$0x0] =	vst.add.f32.msk $0xffff, v5  }
0x1af: {  	v5 =	vld [tilespmem:s31+$0x10]  }
0x1b0: {  	[tilespmem:s15+$0x30] =	vst.add.f32.msk $0xffff, v3  }
0x1b1: {  	[tilespmem:s18+$0x10] =	vst.add.f32.msk $0xffff, v4  }
0x1b2: {  	v3 =	vld [tilespmem:s26+$0x70]  }
0x1b3: {  	v4 =	vld [tilespmem:s2+$0x20]  }
0x1b4: {  	[tilespmem:s7+$0x10] =	vst.add.f32.msk $0xffff, v5  }
0x1b5: {  	v5 =	vld [tilespmem:s14+$0x40]  }
0x1b6: {  	v6 =	vld [tilespmem:s8+$0x30]  }
0x1b7: {  	[tilespmem:s28+$0x70] =	vst.add.f32.msk $0xffff, v3  }
0x1b8: {  	v3 =	vld [tilespmem:s31+$0x20]  }
0x1b9: {  	[tilespmem:s18+$0x20] =	vst.add.f32.msk $0xffff, v4  }
0x1ba: {  	v4 =	vld [tilespmem:s2+$0x30]  }
0x1bb: {  	[tilespmem:s10+$0x30] =	vst.add.f32.msk $0xffff, v6  }
0x1bc: {  	[tilespmem:s15+$0x40] =	vst.add.f32.msk $0xffff, v5  }
0x1bd: {  	v5 =	vld [tilespmem:s14+$0x50]  }
0x1be: {  	[tilespmem:s7+$0x20] =	vst.add.f32.msk $0xffff, v3  }
0x1bf: {  	[tilespmem:s18+$0x30] =	vst.add.f32.msk $0xffff, v4  }
0x1c0: {  	v4 =	vld [tilespmem:s31+$0x30]  }
0x1c1: {  	v3 =	vld [tilespmem:s2+$0x40]  }
0x1c2: {  	[tilespmem:s15+$0x50] =	vst.add.f32.msk $0xffff, v5  }
0x1c3: {  	v5 =	vld [tilespmem:s14+$0x60]  }
0x1c4: {  	v6 =	vld [tilespmem:s8+$0x40]  }
0x1c5: {  	[tilespmem:s7+$0x30] =	vst.add.f32.msk $0xffff, v4  }
0x1c6: {  	[tilespmem:s18+$0x40] =	vst.add.f32.msk $0xffff, v3  }
0x1c7: {  	v3 =	vld [tilespmem:s2+$0x50]  }
0x1c8: {  	[tilespmem:s15+$0x60] =	vst.add.f32.msk $0xffff, v5  }
0x1c9: {  	v5 =	vld [tilespmem:s31+$0x40];
	_ =	sdelay $0x1  }
0x1ca: {  	v4 =	vld [tilespmem:s14+$0x70]  }
0x1cb: {  	[tilespmem:s10+$0x40] =	vst.add.f32.msk $0xffff, v6  }
0x1cc: {  	[tilespmem:s18+$0x50] =	vst.add.f32.msk $0xffff, v3  }
0x1cd: {  	[tilespmem:s7+$0x40] =	vst.add.f32.msk $0xffff, v5  }
0x1ce: {  	v3 =	vld [tilespmem:s2+$0x60]  }
0x1cf: {  	s28 =	sadd.s32 $0x1100, s22;
	[tilespmem:s15+$0x70] =	vst.add.f32.msk $0xffff, v4  }
0x1d0: {  	s26 =	sadd.s32 s21, s28;
	v5 =	vld [tilespmem:s31+$0x50]  }
0x1d1: {  	v4 =	vld [tilespmem:s26+$0x0]  }
0x1d2: {  	v6 =	vld [tilespmem:s8+$0x50]  }
0x1d3: {  	[tilespmem:s18+$0x60] =	vst.add.f32.msk $0xffff, v3  }
0x1d4: {  	s14 =	sadd.s32 $0xD100, s23;
	v3 =	vld [tilespmem:s2+$0x70]  }
0x1d5: {  	s29 =	sadd.s32 $0x2, s3;
	p0 =	slt.u32 s3, $0xE;
	s3 =	sadd.s32 s21, s14;
	[tilespmem:s7+$0x50] =	vst.add.f32.msk $0xffff, v5  }
0x1d6: {  	[tilespmem:s3+$0x0] =	vst.add.f32.msk $0xffff, v4  }
0x1d7: {  	v5 =	vld [tilespmem:s31+$0x60]  }
0x1d8: {  	v4 =	vld [tilespmem:s26+$0x10]  }
0x1d9: {  	[tilespmem:s18+$0x70] =	vst.add.f32.msk $0xffff, v3  }
0x1da: {  	v3 =	vld [tilespmem:s2+$0x400]  }
0x1db: {  	[tilespmem:s10+$0x50] =	vst.add.f32.msk $0xffff, v6  }
0x1dc: {  	[tilespmem:s7+$0x60] =	vst.add.f32.msk $0xffff, v5  }
0x1dd: {  	[tilespmem:s3+$0x10] =	vst.add.f32.msk $0xffff, v4  }
0x1de: {  	v4 =	vld [tilespmem:s26+$0x20]  }
0x1df: {  	[tilespmem:s18+$0x400] =	vst.add.f32.msk $0xffff, v3  }
0x1e0: {  	v3 =	vld [tilespmem:s2+$0x410]  }
0x1e1: {  	v5 =	vld [tilespmem:s31+$0x70]  }
0x1e2: {  	v6 =	vld [tilespmem:s8+$0x60]  }
0x1e3: {  	[tilespmem:s3+$0x20] =	vst.add.f32.msk $0xffff, v4  }
0x1e4: {  	v4 =	vld [tilespmem:s26+$0x30]  }
0x1e5: {  	[tilespmem:s18+$0x410] =	vst.add.f32.msk $0xffff, v3  }
0x1e6: {  	v3 =	vld [tilespmem:s2+$0x420]  }
0x1e7: {  	[tilespmem:s7+$0x70] =	vst.add.f32.msk $0xffff, v5  }
0x1e8: {  	v5 =	vld [tilespmem:s31+$0x400]  }
0x1e9: {  	[tilespmem:s3+$0x30] =	vst.add.f32.msk $0xffff, v4  }
0x1ea: {  	v4 =	vld [tilespmem:s26+$0x40]  }
0x1eb: {  	[tilespmem:s18+$0x420] =	vst.add.f32.msk $0xffff, v3  }
0x1ec: {  	v3 =	vld [tilespmem:s2+$0x430]  }
0x1ed: {  	[tilespmem:s10+$0x60] =	vst.add.f32.msk $0xffff, v6  }
0x1ee: {  	[tilespmem:s7+$0x400] =	vst.add.f32.msk $0xffff, v5  }
0x1ef: {  	[tilespmem:s3+$0x40] =	vst.add.f32.msk $0xffff, v4  }
0x1f0: {  	v4 =	vld [tilespmem:s26+$0x50]  }
0x1f1: {  	[tilespmem:s18+$0x430] =	vst.add.f32.msk $0xffff, v3  }
0x1f2: {  	v3 =	vld [tilespmem:s2+$0x440]  }
0x1f3: {  	v5 =	vld [tilespmem:s31+$0x410]  }
0x1f4: {  	v6 =	vld [tilespmem:s8+$0x70]  }
0x1f5: {  	[tilespmem:s3+$0x50] =	vst.add.f32.msk $0xffff, v4  }
0x1f6: {  	v4 =	vld [tilespmem:s26+$0x60]  }
0x1f7: {  	[tilespmem:s18+$0x440] =	vst.add.f32.msk $0xffff, v3  }
0x1f8: {  	v3 =	vld [tilespmem:s2+$0x450]  }
0x1f9: {  	[tilespmem:s7+$0x410] =	vst.add.f32.msk $0xffff, v5  }
0x1fa: {  	v5 =	vld [tilespmem:s31+$0x420]  }
0x1fb: {  	[tilespmem:s3+$0x60] =	vst.add.f32.msk $0xffff, v4  }
0x1fc: {  	v4 =	vld [tilespmem:s26+$0x70]  }
0x1fd: {  	[tilespmem:s18+$0x450] =	vst.add.f32.msk $0xffff, v3  }
0x1fe: {  	v3 =	vld [tilespmem:s2+$0x460]  }
0x1ff: {  	s15 =	sadd.s32 s20, s28;
	[tilespmem:s10+$0x70] =	vst.add.f32.msk $0xffff, v6  }
0x200: {  	s8 =	sadd.s32 $0x1500, s22;
	v6 =	vld [tilespmem:s15+$0x0]  }
0x201: {  	s26 =	sadd.s32 s21, s8;
	[tilespmem:s3+$0x70] =	vst.add.f32.msk $0xffff, v4  }
0x202: {  	v4 =	vld [tilespmem:s26+$0x0]  }
0x203: {  	[tilespmem:s18+$0x460] =	vst.add.f32.msk $0xffff, v3  }
0x204: {  	v3 =	vld [tilespmem:s2+$0x470];
	_ =	sdelay $0x1  }
0x205: {  	[tilespmem:s7+$0x420] =	vst.add.f32.msk $0xffff, v5  }
0x206: {  	s14 =	sadd.s32 s20, s14;
	s22 =	smov.u32 s6;
	v5 =	vld [tilespmem:s31+$0x430]  }
0x207: {  	s10 =	sadd.s32 $0x900, s22;
	[tilespmem:s14+$0x0] =	vst.add.f32.msk $0xffff, v6  }
0x208: {  	s6 =	sadd.s32 $0xD500, s23;
	s2 =	sadd.s32 s13, s10;
	[tilespmem:s18+$0x470] =	vst.add.f32.msk $0xffff, v3  }
0x209: {  	s28 =	sadd.s32 s21, s6;
	v3 =	vld [tilespmem:s2+$0x0]  }
0x20a: {  	[tilespmem:s28+$0x0] =	vst.add.f32.msk $0xffff, v4  }
0x20b: {  	s23 =	smov.u32 s9;
	v4 =	vld [tilespmem:s15+$0x10]  }
0x20c: {  	s9 =	sadd.s32 $0xC900, s23;
	s21 =	smov.u32 s13;
	[tilespmem:s7+$0x430] =	vst.add.f32.msk $0xffff, v5  }
0x20d: {  	s18 =	sadd.s32 s21, s9;
	v6 =	vld [tilespmem:s26+$0x10]  }
0x20e: {  	[tilespmem:s18+$0x0] =	vst.add.f32.msk $0xffff, v3  }
0x20f: {  	v3 =	vld [tilespmem:s31+$0x440]  }
0x210: {  	[tilespmem:s14+$0x10] =	vst.add.f32.msk $0xffff, v4  }
0x211: {  	v4 =	vld [tilespmem:s15+$0x20]  }
0x212: {  	v5 =	vld [tilespmem:s2+$0x10]  }
0x213: {  	[tilespmem:s28+$0x10] =	vst.add.f32.msk $0xffff, v6  }
0x214: {  	[tilespmem:s7+$0x440] =	vst.add.f32.msk $0xffff, v3  }
0x215: {  	v3 =	vld [tilespmem:s31+$0x450]  }
0x216: {  	[tilespmem:s14+$0x20] =	vst.add.f32.msk $0xffff, v4  }
0x217: {  	[tilespmem:s18+$0x10] =	vst.add.f32.msk $0xffff, v5  }
0x218: {  	v4 =	vld [tilespmem:s15+$0x30]  }
0x219: {  	v5 =	vld [tilespmem:s2+$0x20]  }
0x21a: {  	[tilespmem:s7+$0x450] =	vst.add.f32.msk $0xffff, v3  }
0x21b: {  	v3 =	vld [tilespmem:s31+$0x460]  }
0x21c: {  	v6 =	vld [tilespmem:s26+$0x20]  }
0x21d: {  	[tilespmem:s14+$0x30] =	vst.add.f32.msk $0xffff, v4  }
0x21e: {  	[tilespmem:s18+$0x20] =	vst.add.f32.msk $0xffff, v5  }
0x21f: {  	v4 =	vld [tilespmem:s15+$0x40]  }
0x220: {  	[tilespmem:s7+$0x460] =	vst.add.f32.msk $0xffff, v3  }
0x221: {  	v3 =	vld [tilespmem:s31+$0x470]  }
0x222: {  	v5 =	vld [tilespmem:s2+$0x30]  }
0x223: {  	[tilespmem:s28+$0x20] =	vst.add.f32.msk $0xffff, v6  }
0x224: {  	[tilespmem:s14+$0x40] =	vst.add.f32.msk $0xffff, v4  }
0x225: {  	v4 =	vld [tilespmem:s15+$0x50]  }
0x226: {  	s3 =	sadd.s32 s30, s10;
	[tilespmem:s7+$0x470] =	vst.add.f32.msk $0xffff, v3  }
0x227: {  	v3 =	vld [tilespmem:s3+$0x0]  }
0x228: {  	[tilespmem:s18+$0x30] =	vst.add.f32.msk $0xffff, v5  }
0x229: {  	v5 =	vld [tilespmem:s2+$0x40]  }
0x22a: {  	[tilespmem:s14+$0x50] =	vst.add.f32.msk $0xffff, v4  }
0x22b: {  	s9 =	sadd.s32 s30, s9;
	v4 =	vld [tilespmem:s15+$0x60]  }
0x22c: {  	[tilespmem:s9+$0x0] =	vst.add.f32.msk $0xffff, v3  }
0x22d: {  	v3 =	vld [tilespmem:s3+$0x10]  }
0x22e: {  	v6 =	vld [tilespmem:s26+$0x30]  }
0x22f: {  	[tilespmem:s18+$0x40] =	vst.add.f32.msk $0xffff, v5  }
0x230: {  	[tilespmem:s14+$0x60] =	vst.add.f32.msk $0xffff, v4  }
0x231: {  	v4 =	vld [tilespmem:s15+$0x70]  }
0x232: {  	[tilespmem:s9+$0x10] =	vst.add.f32.msk $0xffff, v3  }
0x233: {  	v3 =	vld [tilespmem:s3+$0x20]  }
0x234: {  	v5 =	vld [tilespmem:s2+$0x50]  }
0x235: {  	[tilespmem:s28+$0x30] =	vst.add.f32.msk $0xffff, v6  }
0x236: {  	s31 =	sadd.s32 s20, s8;
	[tilespmem:s14+$0x70] =	vst.add.f32.msk $0xffff, v4  }
0x237: {  	v4 =	vld [tilespmem:s31+$0x0]  }
0x238: {  	[tilespmem:s9+$0x20] =	vst.add.f32.msk $0xffff, v3  }
0x239: {  	v3 =	vld [tilespmem:s3+$0x30]  }
0x23a: {  	[tilespmem:s18+$0x50] =	vst.add.f32.msk $0xffff, v5  }
0x23b: {  	s7 =	sadd.s32 s20, s6;
	v5 =	vld [tilespmem:s2+$0x60]  }
0x23c: {  	[tilespmem:s7+$0x0] =	vst.add.f32.msk $0xffff, v4  }
0x23d: {  	v4 =	vld [tilespmem:s31+$0x10]  }
0x23e: {  	[tilespmem:s9+$0x30] =	vst.add.f32.msk $0xffff, v3  }
0x23f: {  	v3 =	vld [tilespmem:s3+$0x40]  }
0x240: {  	v6 =	vld [tilespmem:s26+$0x40]  }
0x241: {  	[tilespmem:s18+$0x60] =	vst.add.f32.msk $0xffff, v5  }
0x242: {  	[tilespmem:s7+$0x10] =	vst.add.f32.msk $0xffff, v4  }
0x243: {  	v4 =	vld [tilespmem:s31+$0x20]  }
0x244: {  	[tilespmem:s9+$0x40] =	vst.add.f32.msk $0xffff, v3  }
0x245: {  	v3 =	vld [tilespmem:s3+$0x50]  }
0x246: {  	v5 =	vld [tilespmem:s2+$0x70]  }
0x247: {  	[tilespmem:s28+$0x40] =	vst.add.f32.msk $0xffff, v6  }
0x248: {  	[tilespmem:s7+$0x20] =	vst.add.f32.msk $0xffff, v4  }
0x249: {  	v4 =	vld [tilespmem:s31+$0x30]  }
0x24a: {  	[tilespmem:s9+$0x50] =	vst.add.f32.msk $0xffff, v3  }
0x24b: {  	s20 =	smov.u32 s30;
	s30 =	sadd.s32 $0xD00, s22;
	v3 =	vld [tilespmem:s3+$0x60]  }
0x24c: {  	s14 =	sadd.s32 s21, s30;
	[tilespmem:s18+$0x70] =	vst.add.f32.msk $0xffff, v5  }
0x24d: {  	v5 =	vld [tilespmem:s14+$0x0]  }
0x24e: {  	[tilespmem:s7+$0x30] =	vst.add.f32.msk $0xffff, v4  }
0x24f: {  	v4 =	vld [tilespmem:s31+$0x40]  }
0x250: {  	[tilespmem:s9+$0x60] =	vst.add.f32.msk $0xffff, v3  }
0x251: {  	s2 =	sadd.s32 $0xCD00, s23;
	v6 =	vld [tilespmem:s3+$0x70]  }
0x252: {  	s15 =	sadd.s32 s21, s2;
	v3 =	vld [tilespmem:s26+$0x50]  }
.Ltmp0:
0x253: {  	[tilespmem:s15+$0x0] =	vst.add.f32.msk $0xffff, v5;
	(pc) =	sbr.rel @p0 .LBB2_3-.Ltmp0, $4  }
0x254: {  	[tilespmem:s7+$0x40] =	vst.add.f32.msk $0xffff, v4  }
0x255: {  	v4 =	vld [tilespmem:s31+$0x50]  }
0x256: {  	s8 =	sadd.s32 s20, s30;
	[tilespmem:s9+$0x70] =	vst.add.f32.msk $0xffff, v6  }
0x257: {  	s3 =	smov.u32 s29;
	v5 =	vld [tilespmem:s8+$0x0]  }
0x258: {  	_ =	sdelay $0x2  }
0x259: {  	s2 =	sadd.s32 s20, s2;
	v6 =	vld [tilespmem:s14+$0x10]  }
0x25a: {  	[tilespmem:s2+$0x0] =	vst.add.f32.msk $0xffff, v5  }
0x25b: {  	v5 =	vld [tilespmem:s8+$0x10];
	_ =	sdelay $0x2  }
0x25c: {  	[tilespmem:s15+$0x10] =	vst.add.f32.msk $0xffff, v6  }
0x25d: {  	v6 =	vld [tilespmem:s14+$0x20]  }
0x25e: {  	[tilespmem:s2+$0x10] =	vst.add.f32.msk $0xffff, v5  }
0x25f: {  	v5 =	vld [tilespmem:s8+$0x20];
	_ =	sdelay $0x2  }
0x260: {  	[tilespmem:s15+$0x20] =	vst.add.f32.msk $0xffff, v6  }
0x261: {  	v6 =	vld [tilespmem:s14+$0x30]  }
0x262: {  	[tilespmem:s2+$0x20] =	vst.add.f32.msk $0xffff, v5  }
0x263: {  	v5 =	vld [tilespmem:s8+$0x30];
	_ =	sdelay $0x2  }
0x264: {  	[tilespmem:s15+$0x30] =	vst.add.f32.msk $0xffff, v6  }
0x265: {  	v6 =	vld [tilespmem:s14+$0x40]  }
0x266: {  	[tilespmem:s2+$0x30] =	vst.add.f32.msk $0xffff, v5  }
0x267: {  	v5 =	vld [tilespmem:s8+$0x40];
	_ =	sdelay $0x2  }
0x268: {  	[tilespmem:s15+$0x40] =	vst.add.f32.msk $0xffff, v6  }
0x269: {  	v6 =	vld [tilespmem:s14+$0x50]  }
0x26a: {  	[tilespmem:s2+$0x40] =	vst.add.f32.msk $0xffff, v5  }
0x26b: {  	v5 =	vld [tilespmem:s8+$0x50];
	_ =	sdelay $0x2  }
0x26c: {  	[tilespmem:s15+$0x50] =	vst.add.f32.msk $0xffff, v6  }
0x26d: {  	v6 =	vld [tilespmem:s14+$0x60]  }
0x26e: {  	[tilespmem:s2+$0x50] =	vst.add.f32.msk $0xffff, v5  }
0x26f: {  	v5 =	vld [tilespmem:s8+$0x60];
	_ =	sdelay $0x2  }
0x270: {  	[tilespmem:s15+$0x60] =	vst.add.f32.msk $0xffff, v6  }
0x271: {  	v6 =	vld [tilespmem:s14+$0x70]  }
0x272: {  	[tilespmem:s2+$0x60] =	vst.add.f32.msk $0xffff, v5  }
0x273: {  	v5 =	vld [tilespmem:s8+$0x70];
	_ =	sdelay $0x1  }
0x274: {  	s3 =	sadd.s32 $0x1100, s22  }
0x275: {  	s13 =	sadd.s32 s20, s3;
	s3 =	sadd.s32 s21, s3;
	[tilespmem:s15+$0x70] =	vst.add.f32.msk $0xffff, v6  }
0x276: {  	v6 =	vld [tilespmem:s3+$0x0]  }
0x277: {  	[tilespmem:s2+$0x70] =	vst.add.f32.msk $0xffff, v5  }
0x278: {  	v5 =	vld [tilespmem:s13+$0x0]  }
0x279: {  	s6 =	sadd.s32 $0xD100, s23  }
0x27a: {  	s14 =	sadd.s32 s20, s6;
	s6 =	sadd.s32 s21, s6  }
0x27b: {  	[tilespmem:s6+$0x0] =	vst.add.f32.msk $0xffff, v6  }
0x27c: {  	v6 =	vld [tilespmem:s3+$0x10]  }
0x27d: {  	[tilespmem:s14+$0x0] =	vst.add.f32.msk $0xffff, v5  }
0x27e: {  	v5 =	vld [tilespmem:s13+$0x10];
	_ =	sdelay $0x2  }
0x27f: {  	[tilespmem:s6+$0x10] =	vst.add.f32.msk $0xffff, v6  }
0x280: {  	v6 =	vld [tilespmem:s3+$0x20]  }
0x281: {  	[tilespmem:s14+$0x10] =	vst.add.f32.msk $0xffff, v5  }
0x282: {  	v5 =	vld [tilespmem:s13+$0x20];
	_ =	sdelay $0x2  }
0x283: {  	[tilespmem:s6+$0x20] =	vst.add.f32.msk $0xffff, v6  }
0x284: {  	v6 =	vld [tilespmem:s3+$0x30]  }
0x285: {  	[tilespmem:s14+$0x20] =	vst.add.f32.msk $0xffff, v5  }
0x286: {  	v5 =	vld [tilespmem:s13+$0x30];
	_ =	sdelay $0x2  }
0x287: {  	[tilespmem:s6+$0x30] =	vst.add.f32.msk $0xffff, v6  }
0x288: {  	v6 =	vld [tilespmem:s3+$0x40]  }
0x289: {  	[tilespmem:s14+$0x30] =	vst.add.f32.msk $0xffff, v5  }
0x28a: {  	v5 =	vld [tilespmem:s13+$0x40];
	_ =	sdelay $0x2  }
0x28b: {  	[tilespmem:s6+$0x40] =	vst.add.f32.msk $0xffff, v6  }
0x28c: {  	v6 =	vld [tilespmem:s3+$0x50]  }
0x28d: {  	[tilespmem:s14+$0x40] =	vst.add.f32.msk $0xffff, v5  }
0x28e: {  	v5 =	vld [tilespmem:s13+$0x50];
	_ =	sdelay $0x2  }
0x28f: {  	[tilespmem:s6+$0x50] =	vst.add.f32.msk $0xffff, v6  }
0x290: {  	v6 =	vld [tilespmem:s3+$0x60]  }
0x291: {  	[tilespmem:s14+$0x50] =	vst.add.f32.msk $0xffff, v5  }
0x292: {  	v5 =	vld [tilespmem:s13+$0x60];
	_ =	sdelay $0x2  }
0x293: {  	[tilespmem:s6+$0x60] =	vst.add.f32.msk $0xffff, v6  }
0x294: {  	v6 =	vld [tilespmem:s3+$0x70]  }
0x295: {  	[tilespmem:s14+$0x60] =	vst.add.f32.msk $0xffff, v5  }
0x296: {  	v5 =	vld [tilespmem:s13+$0x70];
	_ =	sdelay $0x1  }
0x297: {  	s15 =	sadd.s32 $0x1500, s22  }
0x298: {  	s2 =	sadd.s32 s21, s15;
	[tilespmem:s6+$0x70] =	vst.add.f32.msk $0xffff, v6  }
0x299: {  	v6 =	vld [tilespmem:s2+$0x0]  }
0x29a: {  	s18 =	sadd.s32 s20, s15;
	[tilespmem:s14+$0x70] =	vst.add.f32.msk $0xffff, v5  }
0x29b: {  	v5 =	vld [tilespmem:s18+$0x0]  }
0x29c: {  	s22 =	sadd.s32 $0xD500, s23  }
0x29d: {  	s6 =	sadd.s32 s21, s22  }
0x29e: {  	[tilespmem:s6+$0x0] =	vst.add.f32.msk $0xffff, v6  }
0x29f: {  	s23 =	sadd.s32 s20, s22;
	v6 =	vld [tilespmem:s2+$0x10]  }
0x2a0: {  	[tilespmem:s23+$0x0] =	vst.add.f32.msk $0xffff, v5  }
0x2a1: {  	v5 =	vld [tilespmem:s18+$0x10];
	_ =	sdelay $0x2  }
0x2a2: {  	[tilespmem:s6+$0x10] =	vst.add.f32.msk $0xffff, v6  }
0x2a3: {  	v6 =	vld [tilespmem:s2+$0x20]  }
0x2a4: {  	[tilespmem:s23+$0x10] =	vst.add.f32.msk $0xffff, v5  }
0x2a5: {  	v5 =	vld [tilespmem:s18+$0x20];
	_ =	sdelay $0x2  }
0x2a6: {  	[tilespmem:s6+$0x20] =	vst.add.f32.msk $0xffff, v6  }
0x2a7: {  	v6 =	vld [tilespmem:s2+$0x30]  }
0x2a8: {  	[tilespmem:s23+$0x20] =	vst.add.f32.msk $0xffff, v5  }
0x2a9: {  	v5 =	vld [tilespmem:s18+$0x30]  }
0x2aa: {  	[tilespmem:s28+$0x50] =	vst.add.f32.msk $0xffff, v3  }
0x2ab: {  	v63 =	vld [tilespmem:s26+$0x60]  }
0x2ac: {  	[tilespmem:s6+$0x30] =	vst.add.f32.msk $0xffff, v6  }
0x2ad: {  	v6 =	vld [tilespmem:s2+$0x40]  }
0x2ae: {  	[tilespmem:s23+$0x30] =	vst.add.f32.msk $0xffff, v5  }
0x2af: {  	v5 =	vld [tilespmem:s18+$0x40]  }
0x2b0: {  	[tilespmem:s7+$0x50] =	vst.add.f32.msk $0xffff, v4  }
0x2b1: {  	v4 =	vld [tilespmem:s31+$0x60]  }
0x2b2: {  	[tilespmem:s6+$0x40] =	vst.add.f32.msk $0xffff, v6  }
0x2b3: {  	v61 =	vld [tilespmem:s2+$0x50]  }
0x2b4: {  	[tilespmem:s23+$0x40] =	vst.add.f32.msk $0xffff, v5  }
0x2b5: {  	v3 =	vld [tilespmem:s18+$0x50]  }
0x2b6: {  	[tilespmem:s28+$0x60] =	vst.add.f32.msk $0xffff, v63  }
0x2b7: {  	[tilespmem:s7+$0x60] =	vst.add.f32.msk $0xffff, v4  }
0x2b8: {  	[tilespmem:s6+$0x50] =	vst.add.f32.msk $0xffff, v61  }
0x2b9: {  	v4 =	vld [tilespmem:s2+$0x60]  }
0x2ba: {  	[tilespmem:s23+$0x50] =	vst.add.f32.msk $0xffff, v3  }
0x2bb: {  	v3 =	vld [tilespmem:s18+$0x60]  }
0x2bc: {  	v62 =	vld [tilespmem:s31+$0x70]  }
0x2bd: {  	v6 =	vld [tilespmem:s26+$0x70]  }
0x2be: {  	[tilespmem:s6+$0x60] =	vst.add.f32.msk $0xffff, v4  }
0x2bf: {  	s9 =	sor.u32 s4, s25;
	v4 =	vld [tilespmem:s2+$0x70]  }
0x2c0: {  	s29 =	sshrl.u32 s9, $0x3;
	[tilespmem:s23+$0x60] =	vst.add.f32.msk $0xffff, v3  }
0x2c1: {  	s24 =	sshrl.u32 s17, $0x2;
	s17 =	sadd.s32 $0x1, s17;
	s3 =	smul.u32 $0x1800, s29;
	v3 =	vld [tilespmem:s18+$0x70]  }
0x2c2: {  	p0 =	sne.s32 s17, $0x10;
	s26 =	smul.u32 $0x180000, s24  }
.Ltmp1:
0x2c3: {  	[tilespmem:s7+$0x70] =	vst.add.f32.msk $0xffff, v62;
	(pc) =	sbr.rel @p0 .LBB2_2-.Ltmp1, $4  }
0x2c4: {  	[tilespmem:s28+$0x70] =	vst.add.f32.msk $0xffff, v6;
	s2 =	sadd.s32 s26, s3  }
0x2c5: {  	s31 =	rddreg [dreg:$0x3];
	s2 =	sshrl.u32 s2, $0x3;
	[tilespmem:s6+$0x70] =	vst.add.f32.msk $0xffff, v4  }
0x2c6: {  	s30 =	sadd.s32 $0xC100, s19;
	s16 =	sadd.s32 $0x1, s16;
	s2 =	sadd.s32 s31, s2;
	[tilespmem:s23+$0x70] =	vst.add.f32.msk $0xffff, v3  }
0x2c7: {  	[hbm4b:s2+s5] =	stream.linear.scatter [tilespmem:s30], [sflag:$0x4], $0x3000, $0x38;
	[tilespmem:$0x18100] =	vst v63  }
0x2c8: {  	s3 =	simm.s32 $0x4  }
0x2c9: {  	_ =	swait.ge [sflag:s3], $0x3000  }
0x2ca: {  	[sflag:s3] =	ssyncset.done $0x0  }
0x2cb: {  	[sflag:s3] =	ssyncadd.s32 $0xFFFFD000  }
0x2cc: {  	_ =	swait.ge [sflag:s3], $0x3000  }
0x2cd: {  	[sflag:s3] =	ssyncset.done $0x0  }
0x2ce: {  	[sflag:s3] =	ssyncadd.s32 $0xFFFFD000  }
0x2cf: {  	_ =	swait.ge [sflag:s3], $0x3000  }
0x2d0: {  	[sflag:s3] =	ssyncset.done $0x0  }
0x2d1: {  	[sflag:s3] =	ssyncadd.s32 $0xFFFFD000  }
0x2d2: {  	_ =	swait.ge [sflag:s3], $0x3000  }
0x2d3: {  	s6 =	rddreg [dreg:$0xc]  }
0x2d4: {  	s2 =	rddreg [dreg:$0xb];
	s6 =	sadd.s32 $0x1, s6  }
0x2d5: {  	p0 =	sne.s32 s6, s2  }
.Ltmp2:
0x2d6: {  	_ = 	snop;
	(pc) =	sbr.rel @p0 .LBB2_1-.Ltmp2, $3  }
0x2d7: {  	_ =	sdelay $0x1  }
0x2d8: {  	[sflag:s3] =	ssyncset.done $0x0  }
0x2d9: {  	[sflag:s3] =	ssyncadd.s32 $0xFFFFD000  }
0x2da: {  	_ =	sfence.sel $0x180000  }
0x2db: {  	[bflag:$0x0] =	sbarrier.arrive $0xFFFF  }
0x2dc: {  	_ =	strace $0x90000047  }
0x2dd: {  	s0 =	stileid.u32;
	[bflag:$0x2] =	sbarrier.arrive $0xFFFF  }
0x2de: {  	p0 =	sne.s32 s0, $0x0;
	s0 =	rddreg [dreg:$0x4]  }
0x2df: {  	s0 =	sadd.s32 @!p0 $0x100000, s0  }
0x2e0: {  	[sflag:s0] =	ssyncadd.tile.s32 @!p0 $0x1;
	_ =	shalt  }
.Lfunc_end2:
_tile_overlayer_lowered:
.L_overlay_start_2:
0x2e1: {  	(tag) =	ssettag $0x2  }
0x2e2: {  	s0 =	rddreg [dreg:$0x0];
	s2 =	stileid.u32  }
0x2e3: {  	s1 =	rddreg [dreg:$0x1];
	p0 =	sne.s32 s2, $0x0  }
0x2e4: {  	s3 =	rddreg [dreg:$0x2];
	[bflag:$0x3] =	sbarrier.arrive $0xFFFF;
	s2 =	simm.s32 @!p0 $0x1C05  }
0x2e5: {  	[timem:s3], [sflag:s2] =	dma.local @!p0 [hbm:s0], s1  }
0x2e6: {  	s0 =	simm.s32 @!p0 $0x5  }
0x2e7: {  	_ =	swait.ge @!p0 [sflag:s0], s1  }
0x2e8: {  	s1 =	ssub.s32 @!p0 $0x0, s1;
	[sflag:s0] =	ssyncset.done @!p0 $0x0  }
0x2e9: {  	[sflag:s0] =	ssyncadd.s32 @!p0 s1  }
0x2ea: {  	[bflag:$0x3] =	sbarrier.arrive $0xFFFF  }
0x2eb: {  	_ =	shalt  }

</sc_bundles>
